<compile_context>
chip_gen: v7x
topology: tpu7x:2x2x1
jax: 0.10.2.dev20260603
libtpu: 0.0.44.dev20260713+nightly
codegen_flags: <defaults>
</compile_context>

<pallas_src>
import functools

import numpy as np
import jax
import jax.numpy as jnp
from jax import lax
from jax.experimental import pallas as pl
from jax.experimental.pallas import tpu as pltpu
from jax.experimental.pallas import tpu_sc as plsc

N = 10000
E = 320000
NF = 128
H1 = 128
H2 = 64
G = 20
MAXN = 500
ISQ = np.float32(1.0 / np.sqrt(1.0 + 1e-5))

NC, NS = 2, 16
NW = NC * NS
EPW = E // NW
CH = 80
NCHUNK = -(-EPW // CH)
EPW_P = NCHUNK * CH
DVW = 16
N_PAD = 10240
RPT = N_PAD // NS

BN = 1000
NB = N // BN
MP = 512


@functools.cache
def _sc_mesh():
    return plsc.VectorSubcoreMesh(core_axis_name="c", subcore_axis_name="s",
                                  num_cores=NC, num_subcores=NS)


@functools.cache
def _make_deg():
    @functools.partial(
        pl.kernel,
        out_type=jax.ShapeDtypeStruct((NC * N_PAD, 128), jnp.float32),
        mesh=_sc_mesh(),
        scratch_types=[
            pltpu.VMEM((2, CH), jnp.int32),
            pltpu.VMEM((CH, 128), jnp.float32),
            pltpu.VMEM_SHARED((N_PAD, 128), jnp.float32),
            pltpu.SemaphoreType.DMA,
        ],
    )
    def _deg(ei4_hbm, ones_hbm, zeros_hbm, out_hbm, colb, onesb, acc, isem):
        cid = lax.axis_index("c")
        sid = lax.axis_index("s")
        w = cid * NS + sid
        tb = sid * RPT
        pltpu.sync_copy(ones_hbm, onesb)
        pltpu.sync_copy(ei4_hbm.at[1, w, 0], colb.at[0])
        pltpu.sync_copy(zeros_hbm.at[pl.ds(tb, RPT)], acc.at[pl.ds(tb, RPT)])
        plsc.subcore_barrier()
        pltpu.async_copy(ei4_hbm.at[1, w, 1], colb.at[1], isem)

        def body(i, carry):
            b = lax.rem(i, 2)

            pltpu.sync_copy(onesb, acc.at[colb.at[b]], add=True)

            @pl.when(i + 2 < NCHUNK)
            def _():
                pltpu.async_copy(ei4_hbm.at[1, w, i + 2], colb.at[b], isem)

            @pl.when(i + 1 < NCHUNK)
            def _():
                pltpu.make_async_copy(ei4_hbm.at[1, 0, 0], colb.at[0],
                                      isem).wait()

            return carry

        lax.fori_loop(0, NCHUNK, body, 0)
        plsc.subcore_barrier()
        pltpu.sync_copy(acc.at[pl.ds(tb, RPT)],
                        out_hbm.at[pl.ds(cid * N_PAD + tb, RPT)])

    return _deg


@functools.cache
def _make_agg(F):
    @functools.partial(
        pl.kernel,
        out_type=jax.ShapeDtypeStruct((NC * N_PAD, F), jnp.float32),
        mesh=_sc_mesh(),
        scratch_types=[
            pltpu.VMEM((2, CH), jnp.int32),
            pltpu.VMEM((2, CH), jnp.int32),
            pltpu.VMEM((2, CH, F), jnp.float32),
            pltpu.VMEM_SHARED((N_PAD, F), jnp.float32),
            pltpu.SemaphoreType.DMA,
            pltpu.SemaphoreType.DMA,
        ],
    )
    def agg(ei4_hbm, hs_hbm, zeros_hbm, out_hbm,
            rowb, colb, gbuf, acc, gsem, isem):
        cid = lax.axis_index("c")
        sid = lax.axis_index("s")
        w = cid * NS + sid
        tb = sid * RPT
        pltpu.sync_copy(ei4_hbm.at[0, w, 0], rowb.at[0])
        pltpu.sync_copy(ei4_hbm.at[1, w, 0], colb.at[0])
        pltpu.sync_copy(zeros_hbm.at[pl.ds(tb, RPT)], acc.at[pl.ds(tb, RPT)])
        plsc.subcore_barrier()
        pltpu.async_copy(hs_hbm.at[rowb.at[0]], gbuf.at[0], gsem)
        pltpu.async_copy(ei4_hbm.at[0, w, 1], rowb.at[1], isem)
        pltpu.async_copy(ei4_hbm.at[1, w, 1], colb.at[1], isem)

        def body(i, carry):
            b = lax.rem(i, 2)
            nb = lax.rem(i + 1, 2)

            @pl.when(i + 1 < NCHUNK)
            def _():
                pltpu.make_async_copy(ei4_hbm.at[0, 0, 0], rowb.at[0],
                                      isem).wait()
                pltpu.make_async_copy(ei4_hbm.at[0, 0, 0], colb.at[0],
                                      isem).wait()
                pltpu.async_copy(hs_hbm.at[rowb.at[nb]], gbuf.at[nb], gsem)

            pltpu.make_async_copy(
                hs_hbm.at[pl.ds(0, CH)], gbuf.at[0], gsem).wait()
            pltpu.sync_copy(gbuf.at[b], acc.at[colb.at[b]], add=True)

            @pl.when(i + 2 < NCHUNK)
            def _():
                pltpu.async_copy(ei4_hbm.at[0, w, i + 2], rowb.at[b], isem)
                pltpu.async_copy(ei4_hbm.at[1, w, i + 2], colb.at[b], isem)

            return carry

        lax.fori_loop(0, NCHUNK, body, 0)
        plsc.subcore_barrier()
        pltpu.sync_copy(acc.at[pl.ds(tb, RPT)],
                        out_hbm.at[pl.ds(cid * N_PAD + tb, RPT)])

    return agg



def _k0_body(x_ref, w1_ref, h_ref):
    h_ref[...] = jnp.dot(x_ref[...], w1_ref[...],
                         preferred_element_type=jnp.float32)


_k0 = pl.pallas_call(
    _k0_body,
    grid=(NB,),
    in_specs=[
        pl.BlockSpec((BN, NF), lambda i: (i, 0)),
        pl.BlockSpec((NF, H1), lambda i: (0, 0)),
    ],
    out_specs=pl.BlockSpec((BN, H1), lambda i: (i, 0)),
    out_shape=jax.ShapeDtypeStruct((N, H1), jnp.float32),
)


def _k1_body(h_ref, degp_ref, hs1_ref, dinv_ref):
    deg = degp_ref[0, :, :DVW] + degp_ref[1, :, :DVW] + 1.0
    dinv = lax.rsqrt(deg)
    dinv_ref[...] = dinv
    hs1_ref[...] = h_ref[...] * dinv[:, 0:1]


_k1 = pl.pallas_call(
    _k1_body,
    grid=(NB,),
    in_specs=[
        pl.BlockSpec((BN, H1), lambda i: (i, 0)),
        pl.BlockSpec((NC, BN, 128), lambda i: (0, i, 0)),
    ],
    out_specs=[
        pl.BlockSpec((BN, H1), lambda i: (i, 0)),
        pl.BlockSpec((BN, DVW), lambda i: (i, 0)),
    ],
    out_shape=[
        jax.ShapeDtypeStruct((N, H1), jnp.float32),
        jax.ShapeDtypeStruct((N, DVW), jnp.float32),
    ],
)


def _k2_body(aggp_ref, hs1_ref, x_ref, dinv_ref, b1_ref, g1_ref, bb1_ref,
             w2_ref, sw_ref, sb_ref, hs2_ref, res_ref):
    dinv1 = dinv_ref[...][:, 0:1]
    g = aggp_ref[0] + aggp_ref[1] + hs1_ref[...]
    y = g * dinv1 + b1_ref[...]
    y = y * (g1_ref[...] * ISQ) + bb1_ref[...]
    z1 = jax.nn.relu(jax.nn.relu(y) + x_ref[...])
    hs2 = jnp.dot(z1, w2_ref[...], preferred_element_type=jnp.float32) * dinv1
    hs2_ref[...] = jnp.concatenate(
        [hs2, jnp.zeros((BN, H1 - H2), jnp.float32)], axis=1)
    res_ref[...] = jnp.dot(z1, sw_ref[...],
                           preferred_element_type=jnp.float32) + sb_ref[...]


_k2 = pl.pallas_call(
    _k2_body,
    grid=(NB,),
    in_specs=[
        pl.BlockSpec((NC, BN, H1), lambda i: (0, i, 0)),
        pl.BlockSpec((BN, H1), lambda i: (i, 0)),
        pl.BlockSpec((BN, NF), lambda i: (i, 0)),
        pl.BlockSpec((BN, DVW), lambda i: (i, 0)),
        pl.BlockSpec((1, H1), lambda i: (0, 0)),
        pl.BlockSpec((1, H1), lambda i: (0, 0)),
        pl.BlockSpec((1, H1), lambda i: (0, 0)),
        pl.BlockSpec((H1, H2), lambda i: (0, 0)),
        pl.BlockSpec((H1, H2), lambda i: (0, 0)),
        pl.BlockSpec((1, H2), lambda i: (0, 0)),
    ],
    out_specs=[
        pl.BlockSpec((BN, H1), lambda i: (i, 0)),
        pl.BlockSpec((BN, H2), lambda i: (i, 0)),
    ],
    out_shape=[
        jax.ShapeDtypeStruct((N, H1), jnp.float32),
        jax.ShapeDtypeStruct((N, H2), jnp.float32),
    ],
)


def _k3_body(aggp_ref, hs2_ref, res_ref, dinv_ref, b2_ref, g2_ref, bb2_ref,
             f1w_ref, f1b_ref, fg_ref, fb_ref, f2w_ref, f2b_ref,
             z_ref, xr_ref, zg_ref):
    dinv1 = dinv_ref[...][:, 0:1]
    g = (aggp_ref[0, :, :H2] + aggp_ref[1, :, :H2]
         + hs2_ref[...][:, :H2])
    y = g * dinv1 + b2_ref[...]
    y = y * (g2_ref[...] * ISQ) + bb2_ref[...]
    z2 = jax.nn.relu(jax.nn.relu(y) + res_ref[...])
    nrm = jnp.sqrt(jnp.sum(z2 * z2, axis=1, keepdims=True))
    z = z2 / jnp.maximum(nrm, 1e-12)
    z_ref[...] = z
    f = jax.nn.relu(jnp.dot(z, f1w_ref[...],
                            preferred_element_type=jnp.float32) + f1b_ref[...])
    f = f * (fg_ref[...] * ISQ) + fb_ref[...]
    xr_ref[...] = jnp.dot(f, f2w_ref[...],
                          preferred_element_type=jnp.float32) + f2b_ref[...]
    ri = lax.broadcasted_iota(jnp.int32, (BN, 1), 0)
    neg = jnp.float32(-jnp.inf)
    zg0 = jnp.max(jnp.where(ri < MAXN, z, neg), axis=0, keepdims=True)
    zg1 = jnp.max(jnp.where(ri >= MAXN, z, neg), axis=0, keepdims=True)
    zg_ref[0] = jnp.concatenate([zg0, zg1], axis=0)


_k3 = pl.pallas_call(
    _k3_body,
    grid=(NB,),
    in_specs=[
        pl.BlockSpec((NC, BN, H1), lambda i: (0, i, 0)),
        pl.BlockSpec((BN, H1), lambda i: (i, 0)),
        pl.BlockSpec((BN, H2), lambda i: (i, 0)),
        pl.BlockSpec((BN, DVW), lambda i: (i, 0)),
        pl.BlockSpec((1, H2), lambda i: (0, 0)),
        pl.BlockSpec((1, H2), lambda i: (0, 0)),
        pl.BlockSpec((1, H2), lambda i: (0, 0)),
        pl.BlockSpec((H2, H1), lambda i: (0, 0)),
        pl.BlockSpec((1, H1), lambda i: (0, 0)),
        pl.BlockSpec((1, H1), lambda i: (0, 0)),
        pl.BlockSpec((1, H1), lambda i: (0, 0)),
        pl.BlockSpec((H1, NF), lambda i: (0, 0)),
        pl.BlockSpec((1, NF), lambda i: (0, 0)),
    ],
    out_specs=[
        pl.BlockSpec((BN, H2), lambda i: (i, 0)),
        pl.BlockSpec((BN, NF), lambda i: (i, 0)),
        pl.BlockSpec((1, 2, H2), lambda i: (i, 0, 0)),
    ],
    out_shape=[
        jax.ShapeDtypeStruct((N, H2), jnp.float32),
        jax.ShapeDtypeStruct((N, NF), jnp.float32),
        jax.ShapeDtypeStruct((NB, 2, H2), jnp.float32),
    ],
)


def _k4_body(zp_ref, w_ref, zg_ref, p1w_ref, p1b_ref, p2w_ref, p2b_ref,
             adj_ref, zgm_ref):
    zb = zp_ref[0]
    t = jnp.dot(zb, w_ref[...], preferred_element_type=jnp.float32)
    logits = lax.dot_general(t, zb, (((1,), (1,)), ((), ())),
                             preferred_element_type=jnp.float32)
    s = jax.nn.sigmoid(logits)
    r = lax.broadcasted_iota(jnp.int32, (MP, MP), 0)
    c = lax.broadcasted_iota(jnp.int32, (MP, MP), 1)
    mask = (r != c) & (r < MAXN) & (c < MAXN)
    adj_ref[0] = jnp.where(mask, s, 0.0)
    h = jax.nn.relu(jnp.dot(zg_ref[...], p1w_ref[...],
                            preferred_element_type=jnp.float32) + p1b_ref[...])
    zgm_ref[...] = jnp.dot(h, p2w_ref[...],
                           preferred_element_type=jnp.float32) + p2b_ref[...]


_k4 = pl.pallas_call(
    _k4_body,
    grid=(G,),
    in_specs=[
        pl.BlockSpec((1, MP, H2), lambda i: (i, 0, 0)),
        pl.BlockSpec((H2, H2), lambda i: (0, 0)),
        pl.BlockSpec((G, H2), lambda i: (0, 0)),
        pl.BlockSpec((H2, H2), lambda i: (0, 0)),
        pl.BlockSpec((1, H2), lambda i: (0, 0)),
        pl.BlockSpec((H2, H2), lambda i: (0, 0)),
        pl.BlockSpec((1, H2), lambda i: (0, 0)),
    ],
    out_specs=[
        pl.BlockSpec((1, MP, MP), lambda i: (i, 0, 0)),
        pl.BlockSpec((G, H2), lambda i: (0, 0)),
    ],
    out_shape=[
        jax.ShapeDtypeStruct((G, MP, MP), jnp.float32),
        jax.ShapeDtypeStruct((G, H2), jnp.float32),
    ],
)


def kernel(x, edge_index, batch, params):
    p = params
    ei3 = edge_index.reshape(2, NW, EPW)
    pads = jnp.stack([jnp.zeros((NW, EPW_P - EPW), jnp.int32),
                      jnp.full((NW, EPW_P - EPW), N, jnp.int32)])
    ei4 = jnp.concatenate([ei3, pads], axis=2).reshape(2, NW, NCHUNK, CH)
    ones_c = jnp.ones((CH, 128), jnp.float32)
    zeros_h1 = jnp.zeros((N_PAD, H1), jnp.float32)

    h1 = _k0(x, p['conv1_W'])
    degp = _make_deg()(ei4, ones_c, zeros_h1).reshape(NC, N_PAD, 128)
    hs1, dinv = _k1(h1, degp)
    aggp1 = _make_agg(H1)(ei4, hs1, zeros_h1).reshape(NC, N_PAD, H1)
    hs2, res = _k2(aggp1, hs1, x, dinv,
                   p['conv1_b'].reshape(1, H1), p['bn1_g'].reshape(1, H1),
                   p['bn1_b'].reshape(1, H1), p['conv2_W'],
                   p['short2_W'], p['short2_b'].reshape(1, H2))
    aggp2 = _make_agg(H1)(ei4, hs2, zeros_h1).reshape(NC, N_PAD, H1)
    z, x_recon, zg3 = _k3(aggp2, hs2, res, dinv,
                          p['conv2_b'].reshape(1, H2),
                          p['bn2_g'].reshape(1, H2),
                          p['bn2_b'].reshape(1, H2),
                          p['fd1_W'], p['fd1_b'].reshape(1, H1),
                          p['fd_bn_g'].reshape(1, H1),
                          p['fd_bn_b'].reshape(1, H1),
                          p['fd2_W'], p['fd2_b'].reshape(1, NF))
    z_g = zg3.reshape(G, H2)
    zp = jnp.pad(z.reshape(G, MAXN, H2), ((0, 0), (0, MP - MAXN), (0, 0)))
    adjp, z_g_mlp = _k4(zp, p['ed_W'], z_g,
                        p['ph1_W'], p['ph1_b'].reshape(1, H2),
                        p['ph2_W'], p['ph2_b'].reshape(1, H2))
    return (z, x_recon, adjp[:, :MAXN, :MAXN], z_g, z_g_mlp)

# --- scband reference (transcript-rebuilt; emitter-appended) ---
"""Pipeline reference for scband-graph-autoencoder-20375324852258 (READ-ONLY COPY).

The authoritative reference and input builder live on the scoring server;
editing this copy changes nothing except your own understanding.
"""

import jax, jax.numpy as jnp
import numpy as np

N = 10000
E = 320000
NF = 128
H1 = 128
H2 = 64
G = 20
MAXN = 500
EPS = 1e-5


def _p(key, shape, scale=0.05):
    return jax.random.normal(key, shape, jnp.float32) * scale


def setup_inputs(seed: int = 0):
    key = jax.random.key(seed)
    ks = jax.random.split(key, 16)
    x = jax.random.normal(ks[0], (N, NF), jnp.float32)
    edge_index = jax.random.randint(ks[1], (2, E), 0, N, jnp.int32)
    batch = jnp.repeat(jnp.arange(G, dtype=jnp.int32), N // G)
    params = {
        'conv1_W': _p(ks[2], (NF, H1)), 'conv1_b': jnp.zeros((H1,), jnp.float32),
        'bn1_g': jnp.ones((H1,), jnp.float32), 'bn1_b': jnp.zeros((H1,), jnp.float32),
        'conv2_W': _p(ks[3], (H1, H2)), 'conv2_b': jnp.zeros((H2,), jnp.float32),
        'bn2_g': jnp.ones((H2,), jnp.float32), 'bn2_b': jnp.zeros((H2,), jnp.float32),
        'short2_W': _p(ks[4], (H1, H2)), 'short2_b': jnp.zeros((H2,), jnp.float32),
        'ed_W': _p(ks[5], (H2, H2)),
        'fd1_W': _p(ks[6], (H2, H1)), 'fd1_b': jnp.zeros((H1,), jnp.float32),
        'fd_bn_g': jnp.ones((H1,), jnp.float32), 'fd_bn_b': jnp.zeros((H1,), jnp.float32),
        'fd2_W': _p(ks[7], (H1, NF)), 'fd2_b': jnp.zeros((NF,), jnp.float32),
        'ph1_W': _p(ks[8], (H2, H2)), 'ph1_b': jnp.zeros((H2,), jnp.float32),
        'ph2_W': _p(ks[9], (H2, H2)), 'ph2_b': jnp.zeros((H2,), jnp.float32),
    }
    return {'x': x, 'edge_index': edge_index, 'batch': batch, 'params': params}


def _gcn(x, row, col, W, b):
    # GCNConv with self-loops and symmetric normalization (PyG semantics)
    n = x.shape[0]
    sl = jnp.arange(n, dtype=row.dtype)
    r = jnp.concatenate([row, sl])
    c = jnp.concatenate([col, sl])
    deg = jnp.zeros((n,), x.dtype).at[c].add(1.0)
    dinv = jax.lax.rsqrt(deg)
    h = x @ W
    msg = h[r] * (dinv[r] * dinv[c])[:, None]
    out = jnp.zeros((n, W.shape[1]), x.dtype).at[c].add(msg)
    return out + b


def _bn_eval(x, g, b):
    # eval-mode BatchNorm1d with running_mean=0, running_var=1
    return g * (x / jnp.sqrt(1.0 + EPS)) + b


def _forward(x, params, row, col, batch):
    # encoder: ResidualBlock 1 (128->128, identity shortcut)
    h = jax.nn.relu(_bn_eval(_gcn(x, row, col, params['conv1_W'], params['conv1_b']), params['bn1_g'], params['bn1_b']))
    z = jax.nn.relu(h + x)
    # encoder: ResidualBlock 2 (128->64, linear shortcut)
    res = z @ params['short2_W'] + params['short2_b']
    h = jax.nn.relu(_bn_eval(_gcn(z, row, col, params['conv2_W'], params['conv2_b']), params['bn2_g'], params['bn2_b']))
    z = jax.nn.relu(h + res)
    # F.normalize(z, p=2, dim=1)
    z = z / jnp.clip(jnp.linalg.norm(z, axis=1, keepdims=True), 1e-12)
    # BilinearEdgeDecoder per graph: sigmoid(z W z^T) with zeroed diagonal
    zb = z.reshape(G, MAXN, H2)
    logits = jnp.einsum('gnd,de,gme->gnm', zb, params['ed_W'], zb)
    adj = jax.nn.sigmoid(logits) * (1.0 - jnp.eye(MAXN, dtype=z.dtype))
    # Feature_Decoder: Linear -> ReLU -> BN -> Linear
    f = jax.nn.relu(z @ params['fd1_W'] + params['fd1_b'])
    f = _bn_eval(f, params['fd_bn_g'], params['fd_bn_b'])
    x_recon = f @ params['fd2_W'] + params['fd2_b']
    # global max pool + projection head
    z_g = jax.ops.segment_max(z, batch, num_segments=G)
    z_g_mlp = jax.nn.relu(z_g @ params['ph1_W'] + params['ph1_b']) @ params['ph2_W'] + params['ph2_b']
    return (z, x_recon, adj, z_g, z_g_mlp)


def reference(x, edge_index, batch, params):
    return _forward(x, params, edge_index[0], edge_index[1], batch)

if __name__ == "__main__":
    import jax
    _d = setup_inputs()
    print(jax.jit(kernel)(*tuple(_d.values())))

</pallas_src>

<mosaic_0001>
#map = affine_map<(d0, d1) -> (0, 0, 0, 0)>
#map1 = affine_map<(d0, d1) -> (0, 0)>
module attributes {stable_mosaic.version = 14 : i64} {
  func.func @agg(%arg0: i32, %arg1: i32, %arg2: memref<2x32x125x80xi32, #tpu.memory_space<hbm>>, %arg3: memref<10000x128xf32, #tpu.memory_space<hbm>>, %arg4: memref<10240x128xf32, #tpu.memory_space<hbm>>, %arg5: memref<20480x128xf32, #tpu.memory_space<hbm>>, %arg6: memref<2x80xi32, #tpu.memory_space<vmem>>, %arg7: memref<2x80xi32, #tpu.memory_space<vmem>>, %arg8: memref<2x80x128xf32, #tpu.memory_space<vmem>>, %arg9: memref<10240x128xf32, #tpu.memory_space<vmem_shared>>, %arg10: memref<!tpu.dma_semaphore, #tpu.memory_space<semaphore_mem>>, %arg11: memref<!tpu.dma_semaphore, #tpu.memory_space<semaphore_mem>>) attributes {dimension_semantics = [#tpu.dimension_semantics<core_parallel>, #tpu.dimension_semantics<subcore_parallel>], iteration_bounds = array<i64: 2, 16>, scalar_prefetch = 0 : i64, scratch_operands = 6 : i64, tpu.core_type = #tpu.core_type<sc_vector_subcore>, window_params = [{transform_indices = #map}, {transform_indices = #map1}, {transform_indices = #map1}, {transform_indices = #map1}]} {
    %mul3A = arith.constant 16 : i32
    %mul3A_0 = arith.muli %arg0, %mul3A : i32
    %add3A = arith.addi %mul3A_0, %arg1 : i32
    %mul3A_1 = arith.constant 640 : i32
    %mul3A_2 = arith.muli %arg1, %mul3A_1 : i32
    %run_scoped3A = arith.constant 0 : i32
    %run_scoped3A_3 = arith.constant 0 : i32
    %run_scoped3A_4 = arith.constant 0 : i32
    "tpu.region"() ({
      %run_scoped3A_58 = tpu.sem_alloc : memref<!tpu.dma_semaphore, #tpu.memory_space<semaphore_mem>>
      %dma_start3A_59 = arith.constant 0 : i32
      %dma_start3A_60 = tpu.memref_slice %arg6[%run_scoped3A_4, %dma_start3A_59] : memref<2x80xi32, #tpu.memory_space<vmem>> -> memref<1x80xi32, #tpu.memory_space<vmem>>
      %dma_start3A_61 = tpu.memref_squeeze %dma_start3A_60 : memref<1x80xi32, #tpu.memory_space<vmem>> -> memref<80xi32, #tpu.memory_space<vmem>>
      %dma_start3A_62 = arith.constant 0 : i32
      %dma_start3A_63 = tpu.memref_slice %arg2[%run_scoped3A, %add3A, %run_scoped3A_3, %dma_start3A_62] : memref<2x32x125x80xi32, #tpu.memory_space<hbm>> -> memref<1x1x1x80xi32, #tpu.memory_space<hbm>>
      %dma_start3A_64 = tpu.memref_squeeze %dma_start3A_63 : memref<1x1x1x80xi32, #tpu.memory_space<hbm>> -> memref<80xi32, #tpu.memory_space<hbm>>
      %dma_start3A_65 = arith.constant 0 : i32
      %dma_start3A_66 = tpu.memref_slice %arg6[%run_scoped3A_4, %dma_start3A_65] : memref<2x80xi32, #tpu.memory_space<vmem>> -> memref<1x80xi32, #tpu.memory_space<vmem>>
      %dma_start3A_67 = tpu.memref_squeeze %dma_start3A_66 : memref<1x80xi32, #tpu.memory_space<vmem>> -> memref<80xi32, #tpu.memory_space<vmem>>
      %dma_start3A_68 = arith.constant 0 : i32
      %dma_start3A_69 = tpu.memref_slice %arg2[%run_scoped3A, %add3A, %run_scoped3A_3, %dma_start3A_68] : memref<2x32x125x80xi32, #tpu.memory_space<hbm>> -> memref<1x1x1x80xi32, #tpu.memory_space<hbm>>
      %dma_start3A_70 = tpu.memref_squeeze %dma_start3A_69 : memref<1x1x1x80xi32, #tpu.memory_space<hbm>> -> memref<80xi32, #tpu.memory_space<hbm>>
      tpu.enqueue_dma source(%dma_start3A_70 : memref<80xi32, #tpu.memory_space<hbm>>) target(%dma_start3A_67 : memref<80xi32, #tpu.memory_space<vmem>>) target_semaphore(%run_scoped3A_58 : memref<!tpu.dma_semaphore, #tpu.memory_space<semaphore_mem>>)
      %dma_wait3A = arith.constant 0 : i32
      %dma_wait3A_71 = tpu.memref_slice %arg6[%run_scoped3A_4, %dma_wait3A] : memref<2x80xi32, #tpu.memory_space<vmem>> -> memref<1x80xi32, #tpu.memory_space<vmem>>
      %dma_wait3A_72 = tpu.memref_squeeze %dma_wait3A_71 : memref<1x80xi32, #tpu.memory_space<vmem>> -> memref<80xi32, #tpu.memory_space<vmem>>
      %dma_wait3A_73 = arith.constant 0 : i32
      %dma_wait3A_74 = tpu.memref_slice %arg2[%run_scoped3A, %add3A, %run_scoped3A_3, %dma_wait3A_73] : memref<2x32x125x80xi32, #tpu.memory_space<hbm>> -> memref<1x1x1x80xi32, #tpu.memory_space<hbm>>
      %dma_wait3A_75 = tpu.memref_squeeze %dma_wait3A_74 : memref<1x1x1x80xi32, #tpu.memory_space<hbm>> -> memref<80xi32, #tpu.memory_space<hbm>>
      %dma_wait3A_76 = arith.constant 0 : i32
      %dma_wait3A_77 = tpu.memref_slice %arg6[%run_scoped3A_4, %dma_wait3A_76] : memref<2x80xi32, #tpu.memory_space<vmem>> -> memref<1x80xi32, #tpu.memory_space<vmem>>
      %dma_wait3A_78 = tpu.memref_squeeze %dma_wait3A_77 : memref<1x80xi32, #tpu.memory_space<vmem>> -> memref<80xi32, #tpu.memory_space<vmem>>
      %dma_wait3A_79 = arith.constant 0 : i32
      %dma_wait3A_80 = tpu.memref_slice %arg2[%run_scoped3A, %add3A, %run_scoped3A_3, %dma_wait3A_79] : memref<2x32x125x80xi32, #tpu.memory_space<hbm>> -> memref<1x1x1x80xi32, #tpu.memory_space<hbm>>
      %dma_wait3A_81 = tpu.memref_squeeze %dma_wait3A_80 : memref<1x1x1x80xi32, #tpu.memory_space<hbm>> -> memref<80xi32, #tpu.memory_space<hbm>>
      tpu.wait_dma2 semaphore(%run_scoped3A_58 : memref<!tpu.dma_semaphore, #tpu.memory_space<semaphore_mem>>) src(%dma_wait3A_81 : memref<80xi32, #tpu.memory_space<hbm>>) dst(%dma_wait3A_78 : memref<80xi32, #tpu.memory_space<vmem>>)
      tpu.yield
    }) : () -> ()
    %run_scoped3A_5 = arith.constant 1 : i32
    %run_scoped3A_6 = arith.constant 0 : i32
    %run_scoped3A_7 = arith.constant 0 : i32
    "tpu.region"() ({
      %run_scoped3A_58 = tpu.sem_alloc : memref<!tpu.dma_semaphore, #tpu.memory_space<semaphore_mem>>
      %dma_start3A_59 = arith.constant 0 : i32
      %dma_start3A_60 = tpu.memref_slice %arg7[%run_scoped3A_7, %dma_start3A_59] : memref<2x80xi32, #tpu.memory_space<vmem>> -> memref<1x80xi32, #tpu.memory_space<vmem>>
      %dma_start3A_61 = tpu.memref_squeeze %dma_start3A_60 : memref<1x80xi32, #tpu.memory_space<vmem>> -> memref<80xi32, #tpu.memory_space<vmem>>
      %dma_start3A_62 = arith.constant 0 : i32
      %dma_start3A_63 = tpu.memref_slice %arg2[%run_scoped3A_5, %add3A, %run_scoped3A_6, %dma_start3A_62] : memref<2x32x125x80xi32, #tpu.memory_space<hbm>> -> memref<1x1x1x80xi32, #tpu.memory_space<hbm>>
      %dma_start3A_64 = tpu.memref_squeeze %dma_start3A_63 : memref<1x1x1x80xi32, #tpu.memory_space<hbm>> -> memref<80xi32, #tpu.memory_space<hbm>>
      %dma_start3A_65 = arith.constant 0 : i32
      %dma_start3A_66 = tpu.memref_slice %arg7[%run_scoped3A_7, %dma_start3A_65] : memref<2x80xi32, #tpu.memory_space<vmem>> -> memref<1x80xi32, #tpu.memory_space<vmem>>
      %dma_start3A_67 = tpu.memref_squeeze %dma_start3A_66 : memref<1x80xi32, #tpu.memory_space<vmem>> -> memref<80xi32, #tpu.memory_space<vmem>>
      %dma_start3A_68 = arith.constant 0 : i32
      %dma_start3A_69 = tpu.memref_slice %arg2[%run_scoped3A_5, %add3A, %run_scoped3A_6, %dma_start3A_68] : memref<2x32x125x80xi32, #tpu.memory_space<hbm>> -> memref<1x1x1x80xi32, #tpu.memory_space<hbm>>
      %dma_start3A_70 = tpu.memref_squeeze %dma_start3A_69 : memref<1x1x1x80xi32, #tpu.memory_space<hbm>> -> memref<80xi32, #tpu.memory_space<hbm>>
      tpu.enqueue_dma source(%dma_start3A_70 : memref<80xi32, #tpu.memory_space<hbm>>) target(%dma_start3A_67 : memref<80xi32, #tpu.memory_space<vmem>>) target_semaphore(%run_scoped3A_58 : memref<!tpu.dma_semaphore, #tpu.memory_space<semaphore_mem>>)
      %dma_wait3A = arith.constant 0 : i32
      %dma_wait3A_71 = tpu.memref_slice %arg7[%run_scoped3A_7, %dma_wait3A] : memref<2x80xi32, #tpu.memory_space<vmem>> -> memref<1x80xi32, #tpu.memory_space<vmem>>
      %dma_wait3A_72 = tpu.memref_squeeze %dma_wait3A_71 : memref<1x80xi32, #tpu.memory_space<vmem>> -> memref<80xi32, #tpu.memory_space<vmem>>
      %dma_wait3A_73 = arith.constant 0 : i32
      %dma_wait3A_74 = tpu.memref_slice %arg2[%run_scoped3A_5, %add3A, %run_scoped3A_6, %dma_wait3A_73] : memref<2x32x125x80xi32, #tpu.memory_space<hbm>> -> memref<1x1x1x80xi32, #tpu.memory_space<hbm>>
      %dma_wait3A_75 = tpu.memref_squeeze %dma_wait3A_74 : memref<1x1x1x80xi32, #tpu.memory_space<hbm>> -> memref<80xi32, #tpu.memory_space<hbm>>
      %dma_wait3A_76 = arith.constant 0 : i32
      %dma_wait3A_77 = tpu.memref_slice %arg7[%run_scoped3A_7, %dma_wait3A_76] : memref<2x80xi32, #tpu.memory_space<vmem>> -> memref<1x80xi32, #tpu.memory_space<vmem>>
      %dma_wait3A_78 = tpu.memref_squeeze %dma_wait3A_77 : memref<1x80xi32, #tpu.memory_space<vmem>> -> memref<80xi32, #tpu.memory_space<vmem>>
      %dma_wait3A_79 = arith.constant 0 : i32
      %dma_wait3A_80 = tpu.memref_slice %arg2[%run_scoped3A_5, %add3A, %run_scoped3A_6, %dma_wait3A_79] : memref<2x32x125x80xi32, #tpu.memory_space<hbm>> -> memref<1x1x1x80xi32, #tpu.memory_space<hbm>>
      %dma_wait3A_81 = tpu.memref_squeeze %dma_wait3A_80 : memref<1x1x1x80xi32, #tpu.memory_space<hbm>> -> memref<80xi32, #tpu.memory_space<hbm>>
      tpu.wait_dma2 semaphore(%run_scoped3A_58 : memref<!tpu.dma_semaphore, #tpu.memory_space<semaphore_mem>>) src(%dma_wait3A_81 : memref<80xi32, #tpu.memory_space<hbm>>) dst(%dma_wait3A_78 : memref<80xi32, #tpu.memory_space<vmem>>)
      tpu.yield
    }) : () -> ()
    "tpu.region"() ({
      %run_scoped3A_58 = tpu.sem_alloc : memref<!tpu.dma_semaphore, #tpu.memory_space<semaphore_mem>>
      %dma_start3A_59 = arith.constant 0 : i32
      %dma_start3A_60 = tpu.memref_slice %arg9[%mul3A_2, %dma_start3A_59] : memref<10240x128xf32, #tpu.memory_space<vmem_shared>> -> memref<640x128xf32, #tpu.memory_space<vmem_shared>>
      %dma_start3A_61 = arith.constant 0 : i32
      %dma_start3A_62 = tpu.memref_slice %arg4[%mul3A_2, %dma_start3A_61] : memref<10240x128xf32, #tpu.memory_space<hbm>> -> memref<640x128xf32, #tpu.memory_space<hbm>>
      tpu.enqueue_dma source(%dma_start3A_62 : memref<640x128xf32, #tpu.memory_space<hbm>>) target(%dma_start3A_60 : memref<640x128xf32, #tpu.memory_space<vmem_shared>>) target_semaphore(%run_scoped3A_58 : memref<!tpu.dma_semaphore, #tpu.memory_space<semaphore_mem>>)
      %dma_wait3A = arith.constant 0 : i32
      %dma_wait3A_63 = tpu.memref_slice %arg9[%mul3A_2, %dma_wait3A] : memref<10240x128xf32, #tpu.memory_space<vmem_shared>> -> memref<640x128xf32, #tpu.memory_space<vmem_shared>>
      %dma_wait3A_64 = arith.constant 0 : i32
      %dma_wait3A_65 = tpu.memref_slice %arg4[%mul3A_2, %dma_wait3A_64] : memref<10240x128xf32, #tpu.memory_space<hbm>> -> memref<640x128xf32, #tpu.memory_space<hbm>>
      tpu.wait_dma2 semaphore(%run_scoped3A_58 : memref<!tpu.dma_semaphore, #tpu.memory_space<semaphore_mem>>) src(%dma_wait3A_65 : memref<640x128xf32, #tpu.memory_space<hbm>>) dst(%dma_wait3A_63 : memref<640x128xf32, #tpu.memory_space<vmem_shared>>)
      tpu.yield
    }) : () -> ()
    %barrier3A = arith.constant 0 : index
    tpu.barrier barrier_id(%barrier3A)
    %dma_start3A = arith.constant 0 : i32
    %dma_start3A_8 = arith.constant 0 : i32
    %dma_start3A_9 = arith.constant 0 : i32
    %dma_start3A_10 = arith.constant 0 : i32
    %dma_start3A_11 = tpu.memref_slice %arg8[%dma_start3A_8, %dma_start3A_9, %dma_start3A_10] : memref<2x80x128xf32, #tpu.memory_space<vmem>> -> memref<1x80x128xf32, #tpu.memory_space<vmem>>
    %dma_start3A_12 = tpu.memref_squeeze %dma_start3A_11 : memref<1x80x128xf32, #tpu.memory_space<vmem>> -> memref<80x128xf32, #tpu.memory_space<vmem>>
    %dma_start3A_13 = arith.constant 0 : i32
    %dma_start3A_14 = tpu.memref_slice %arg6[%dma_start3A, %dma_start3A_13] : memref<2x80xi32, #tpu.memory_space<vmem>> -> memref<1x80xi32, #tpu.memory_space<vmem>>
    %dma_start3A_15 = tpu.memref_squeeze %dma_start3A_14 : memref<1x80xi32, #tpu.memory_space<vmem>> -> memref<80xi32, #tpu.memory_space<vmem>>
    %dma_start3A_16 = arith.constant 0 : i32
    %dma_start3A_17 = arith.constant 0 : i32
    %dma_start3A_18 = tpu.memref_slice %arg3[%dma_start3A_16, %dma_start3A_17] : memref<10000x128xf32, #tpu.memory_space<hbm>> -> memref<10000x128xf32, #tpu.memory_space<hbm>>
    tpu.enqueue_indirect_dma source(%dma_start3A_18 : memref<10000x128xf32, #tpu.memory_space<hbm>>) target(%dma_start3A_12 : memref<80x128xf32, #tpu.memory_space<vmem>>) offsets(%dma_start3A_15 : memref<80xi32, #tpu.memory_space<vmem>>) semaphore(%arg10 : memref<!tpu.dma_semaphore, #tpu.memory_space<semaphore_mem>>)
    %dma_start3A_19 = arith.constant 0 : i32
    %dma_start3A_20 = arith.constant 1 : i32
    %dma_start3A_21 = arith.constant 1 : i32
    %dma_start3A_22 = arith.constant 0 : i32
    %dma_start3A_23 = tpu.memref_slice %arg6[%dma_start3A_21, %dma_start3A_22] : memref<2x80xi32, #tpu.memory_space<vmem>> -> memref<1x80xi32, #tpu.memory_space<vmem>>
    %dma_start3A_24 = tpu.memref_squeeze %dma_start3A_23 : memref<1x80xi32, #tpu.memory_space<vmem>> -> memref<80xi32, #tpu.memory_space<vmem>>
    %dma_start3A_25 = arith.constant 0 : i32
    %dma_start3A_26 = tpu.memref_slice %arg2[%dma_start3A_19, %add3A, %dma_start3A_20, %dma_start3A_25] : memref<2x32x125x80xi32, #tpu.memory_space<hbm>> -> memref<1x1x1x80xi32, #tpu.memory_space<hbm>>
    %dma_start3A_27 = tpu.memref_squeeze %dma_start3A_26 : memref<1x1x1x80xi32, #tpu.memory_space<hbm>> -> memref<80xi32, #tpu.memory_space<hbm>>
    %dma_start3A_28 = arith.constant 0 : i32
    %dma_start3A_29 = tpu.memref_slice %arg6[%dma_start3A_21, %dma_start3A_28] : memref<2x80xi32, #tpu.memory_space<vmem>> -> memref<1x80xi32, #tpu.memory_space<vmem>>
    %dma_start3A_30 = tpu.memref_squeeze %dma_start3A_29 : memref<1x80xi32, #tpu.memory_space<vmem>> -> memref<80xi32, #tpu.memory_space<vmem>>
    %dma_start3A_31 = arith.constant 0 : i32
    %dma_start3A_32 = tpu.memref_slice %arg2[%dma_start3A_19, %add3A, %dma_start3A_20, %dma_start3A_31] : memref<2x32x125x80xi32, #tpu.memory_space<hbm>> -> memref<1x1x1x80xi32, #tpu.memory_space<hbm>>
    %dma_start3A_33 = tpu.memref_squeeze %dma_start3A_32 : memref<1x1x1x80xi32, #tpu.memory_space<hbm>> -> memref<80xi32, #tpu.memory_space<hbm>>
    tpu.enqueue_dma source(%dma_start3A_33 : memref<80xi32, #tpu.memory_space<hbm>>) target(%dma_start3A_30 : memref<80xi32, #tpu.memory_space<vmem>>) target_semaphore(%arg11 : memref<!tpu.dma_semaphore, #tpu.memory_space<semaphore_mem>>)
    %dma_start3A_34 = arith.constant 1 : i32
    %dma_start3A_35 = arith.constant 1 : i32
    %dma_start3A_36 = arith.constant 1 : i32
    %dma_start3A_37 = arith.constant 0 : i32
    %dma_start3A_38 = tpu.memref_slice %arg7[%dma_start3A_36, %dma_start3A_37] : memref<2x80xi32, #tpu.memory_space<vmem>> -> memref<1x80xi32, #tpu.memory_space<vmem>>
    %dma_start3A_39 = tpu.memref_squeeze %dma_start3A_38 : memref<1x80xi32, #tpu.memory_space<vmem>> -> memref<80xi32, #tpu.memory_space<vmem>>
    %dma_start3A_40 = arith.constant 0 : i32
    %dma_start3A_41 = tpu.memref_slice %arg2[%dma_start3A_34, %add3A, %dma_start3A_35, %dma_start3A_40] : memref<2x32x125x80xi32, #tpu.memory_space<hbm>> -> memref<1x1x1x80xi32, #tpu.memory_space<hbm>>
    %dma_start3A_42 = tpu.memref_squeeze %dma_start3A_41 : memref<1x1x1x80xi32, #tpu.memory_space<hbm>> -> memref<80xi32, #tpu.memory_space<hbm>>
    %dma_start3A_43 = arith.constant 0 : i32
    %dma_start3A_44 = tpu.memref_slice %arg7[%dma_start3A_36, %dma_start3A_43] : memref<2x80xi32, #tpu.memory_space<vmem>> -> memref<1x80xi32, #tpu.memory_space<vmem>>
    %dma_start3A_45 = tpu.memref_squeeze %dma_start3A_44 : memref<1x80xi32, #tpu.memory_space<vmem>> -> memref<80xi32, #tpu.memory_space<vmem>>
    %dma_start3A_46 = arith.constant 0 : i32
    %dma_start3A_47 = tpu.memref_slice %arg2[%dma_start3A_34, %add3A, %dma_start3A_35, %dma_start3A_46] : memref<2x32x125x80xi32, #tpu.memory_space<hbm>> -> memref<1x1x1x80xi32, #tpu.memory_space<hbm>>
    %dma_start3A_48 = tpu.memref_squeeze %dma_start3A_47 : memref<1x1x1x80xi32, #tpu.memory_space<hbm>> -> memref<80xi32, #tpu.memory_space<hbm>>
    tpu.enqueue_dma source(%dma_start3A_48 : memref<80xi32, #tpu.memory_space<hbm>>) target(%dma_start3A_45 : memref<80xi32, #tpu.memory_space<vmem>>) target_semaphore(%arg11 : memref<!tpu.dma_semaphore, #tpu.memory_space<semaphore_mem>>)
    %scan3A = arith.constant 0 : i32
    %scan3A_49 = arith.constant 0 : i32
    %scan3A_50 = arith.constant 125 : i32
    %scan3A_51 = arith.addi %scan3A_49, %scan3A_50 : i32
    %scan3A_52 = arith.constant 1 : i32
    scf.for %scan3A_58 = %scan3A_49 to %scan3A_51 step %scan3A_52  : i32 {
      %rem3A = arith.constant 2 : i32
      %rem3A_59 = arith.remsi %scan3A_58, %rem3A : i32
      %add3A_60 = arith.constant 1 : i32
      %add3A_61 = arith.addi %scan3A_58, %add3A_60 : i32
      %rem3A_62 = arith.constant 2 : i32
      %rem3A_63 = arith.remsi %add3A_61, %rem3A_62 : i32
      %add3A_64 = arith.constant 1 : i32
      %add3A_65 = arith.addi %scan3A_58, %add3A_64 : i32
      %lt3A = arith.constant 125 : i32
      %lt3A_66 = arith.cmpi slt, %add3A_65, %lt3A : i32
      %convert_element_type3A = arith.extui %lt3A_66 : i1 to i32
      %cond3A = arith.constant 0 : i32
      %cond3A_67 = arith.cmpi ne, %convert_element_type3A, %cond3A : i32
      scf.if %cond3A_67 {
        %dma_wait3A_89 = arith.constant 0 : i32
        %dma_wait3A_90 = arith.constant 0 : i32
        %dma_wait3A_91 = arith.constant 0 : i32
        %dma_wait3A_92 = arith.constant 0 : i32
        %dma_wait3A_93 = arith.constant 0 : i32
        %dma_wait3A_94 = tpu.memref_slice %arg6[%dma_wait3A_92, %dma_wait3A_93] : memref<2x80xi32, #tpu.memory_space<vmem>> -> memref<1x80xi32, #tpu.memory_space<vmem>>
        %dma_wait3A_95 = tpu.memref_squeeze %dma_wait3A_94 : memref<1x80xi32, #tpu.memory_space<vmem>> -> memref<80xi32, #tpu.memory_space<vmem>>
        %dma_wait3A_96 = arith.constant 0 : i32
        %dma_wait3A_97 = tpu.memref_slice %arg2[%dma_wait3A_89, %dma_wait3A_90, %dma_wait3A_91, %dma_wait3A_96] : memref<2x32x125x80xi32, #tpu.memory_space<hbm>> -> memref<1x1x1x80xi32, #tpu.memory_space<hbm>>
        %dma_wait3A_98 = tpu.memref_squeeze %dma_wait3A_97 : memref<1x1x1x80xi32, #tpu.memory_space<hbm>> -> memref<80xi32, #tpu.memory_space<hbm>>
        %dma_wait3A_99 = arith.constant 0 : i32
        %dma_wait3A_100 = tpu.memref_slice %arg6[%dma_wait3A_92, %dma_wait3A_99] : memref<2x80xi32, #tpu.memory_space<vmem>> -> memref<1x80xi32, #tpu.memory_space<vmem>>
        %dma_wait3A_101 = tpu.memref_squeeze %dma_wait3A_100 : memref<1x80xi32, #tpu.memory_space<vmem>> -> memref<80xi32, #tpu.memory_space<vmem>>
        %dma_wait3A_102 = arith.constant 0 : i32
        %dma_wait3A_103 = tpu.memref_slice %arg2[%dma_wait3A_89, %dma_wait3A_90, %dma_wait3A_91, %dma_wait3A_102] : memref<2x32x125x80xi32, #tpu.memory_space<hbm>> -> memref<1x1x1x80xi32, #tpu.memory_space<hbm>>
        %dma_wait3A_104 = tpu.memref_squeeze %dma_wait3A_103 : memref<1x1x1x80xi32, #tpu.memory_space<hbm>> -> memref<80xi32, #tpu.memory_space<hbm>>
        tpu.wait_dma2 semaphore(%arg11 : memref<!tpu.dma_semaphore, #tpu.memory_space<semaphore_mem>>) src(%dma_wait3A_104 : memref<80xi32, #tpu.memory_space<hbm>>) dst(%dma_wait3A_101 : memref<80xi32, #tpu.memory_space<vmem>>)
        %dma_wait3A_105 = arith.constant 0 : i32
        %dma_wait3A_106 = arith.constant 0 : i32
        %dma_wait3A_107 = arith.constant 0 : i32
        %dma_wait3A_108 = arith.constant 0 : i32
        %dma_wait3A_109 = arith.constant 0 : i32
        %dma_wait3A_110 = tpu.memref_slice %arg7[%dma_wait3A_108, %dma_wait3A_109] : memref<2x80xi32, #tpu.memory_space<vmem>> -> memref<1x80xi32, #tpu.memory_space<vmem>>
        %dma_wait3A_111 = tpu.memref_squeeze %dma_wait3A_110 : memref<1x80xi32, #tpu.memory_space<vmem>> -> memref<80xi32, #tpu.memory_space<vmem>>
        %dma_wait3A_112 = arith.constant 0 : i32
        %dma_wait3A_113 = tpu.memref_slice %arg2[%dma_wait3A_105, %dma_wait3A_106, %dma_wait3A_107, %dma_wait3A_112] : memref<2x32x125x80xi32, #tpu.memory_space<hbm>> -> memref<1x1x1x80xi32, #tpu.memory_space<hbm>>
        %dma_wait3A_114 = tpu.memref_squeeze %dma_wait3A_113 : memref<1x1x1x80xi32, #tpu.memory_space<hbm>> -> memref<80xi32, #tpu.memory_space<hbm>>
        %dma_wait3A_115 = arith.constant 0 : i32
        %dma_wait3A_116 = tpu.memref_slice %arg7[%dma_wait3A_108, %dma_wait3A_115] : memref<2x80xi32, #tpu.memory_space<vmem>> -> memref<1x80xi32, #tpu.memory_space<vmem>>
        %dma_wait3A_117 = tpu.memref_squeeze %dma_wait3A_116 : memref<1x80xi32, #tpu.memory_space<vmem>> -> memref<80xi32, #tpu.memory_space<vmem>>
        %dma_wait3A_118 = arith.constant 0 : i32
        %dma_wait3A_119 = tpu.memref_slice %arg2[%dma_wait3A_105, %dma_wait3A_106, %dma_wait3A_107, %dma_wait3A_118] : memref<2x32x125x80xi32, #tpu.memory_space<hbm>> -> memref<1x1x1x80xi32, #tpu.memory_space<hbm>>
        %dma_wait3A_120 = tpu.memref_squeeze %dma_wait3A_119 : memref<1x1x1x80xi32, #tpu.memory_space<hbm>> -> memref<80xi32, #tpu.memory_space<hbm>>
        tpu.wait_dma2 semaphore(%arg11 : memref<!tpu.dma_semaphore, #tpu.memory_space<semaphore_mem>>) src(%dma_wait3A_120 : memref<80xi32, #tpu.memory_space<hbm>>) dst(%dma_wait3A_117 : memref<80xi32, #tpu.memory_space<vmem>>)
        %dma_start3A_121 = arith.constant 0 : i32
        %dma_start3A_122 = arith.constant 0 : i32
        %dma_start3A_123 = tpu.memref_slice %arg8[%rem3A_63, %dma_start3A_121, %dma_start3A_122] : memref<2x80x128xf32, #tpu.memory_space<vmem>> -> memref<1x80x128xf32, #tpu.memory_space<vmem>>
        %dma_start3A_124 = tpu.memref_squeeze %dma_start3A_123 : memref<1x80x128xf32, #tpu.memory_space<vmem>> -> memref<80x128xf32, #tpu.memory_space<vmem>>
        %dma_start3A_125 = arith.constant 0 : i32
        %dma_start3A_126 = tpu.memref_slice %arg6[%rem3A_63, %dma_start3A_125] : memref<2x80xi32, #tpu.memory_space<vmem>> -> memref<1x80xi32, #tpu.memory_space<vmem>>
        %dma_start3A_127 = tpu.memref_squeeze %dma_start3A_126 : memref<1x80xi32, #tpu.memory_space<vmem>> -> memref<80xi32, #tpu.memory_space<vmem>>
        %dma_start3A_128 = arith.constant 0 : i32
        %dma_start3A_129 = arith.constant 0 : i32
        %dma_start3A_130 = tpu.memref_slice %arg3[%dma_start3A_128, %dma_start3A_129] : memref<10000x128xf32, #tpu.memory_space<hbm>> -> memref<10000x128xf32, #tpu.memory_space<hbm>>
        tpu.enqueue_indirect_dma source(%dma_start3A_130 : memref<10000x128xf32, #tpu.memory_space<hbm>>) target(%dma_start3A_124 : memref<80x128xf32, #tpu.memory_space<vmem>>) offsets(%dma_start3A_127 : memref<80xi32, #tpu.memory_space<vmem>>) semaphore(%arg10 : memref<!tpu.dma_semaphore, #tpu.memory_space<semaphore_mem>>)
      } else {
      }
      %dma_wait3A = arith.constant 0 : i32
      %dma_wait3A_68 = arith.constant 0 : i32
      %dma_wait3A_69 = arith.constant 0 : i32
      %dma_wait3A_70 = tpu.memref_slice %arg8[%dma_wait3A, %dma_wait3A_68, %dma_wait3A_69] : memref<2x80x128xf32, #tpu.memory_space<vmem>> -> memref<1x80x128xf32, #tpu.memory_space<vmem>>
      %dma_wait3A_71 = tpu.memref_squeeze %dma_wait3A_70 : memref<1x80x128xf32, #tpu.memory_space<vmem>> -> memref<80x128xf32, #tpu.memory_space<vmem>>
      %dma_wait3A_72 = arith.constant 0 : i32
      %dma_wait3A_73 = arith.constant 0 : i32
      %dma_wait3A_74 = tpu.memref_slice %arg3[%dma_wait3A_72, %dma_wait3A_73] : memref<10000x128xf32, #tpu.memory_space<hbm>> -> memref<80x128xf32, #tpu.memory_space<hbm>>
      %dma_wait3A_75 = arith.constant 0 : i32
      %dma_wait3A_76 = arith.constant 0 : i32
      %dma_wait3A_77 = tpu.memref_slice %arg8[%dma_wait3A, %dma_wait3A_75, %dma_wait3A_76] : memref<2x80x128xf32, #tpu.memory_space<vmem>> -> memref<1x80x128xf32, #tpu.memory_space<vmem>>
      %dma_wait3A_78 = tpu.memref_squeeze %dma_wait3A_77 : memref<1x80x128xf32, #tpu.memory_space<vmem>> -> memref<80x128xf32, #tpu.memory_space<vmem>>
      %dma_wait3A_79 = arith.constant 0 : i32
      %dma_wait3A_80 = arith.constant 0 : i32
      %dma_wait3A_81 = tpu.memref_slice %arg3[%dma_wait3A_79, %dma_wait3A_80] : memref<10000x128xf32, #tpu.memory_space<hbm>> -> memref<80x128xf32, #tpu.memory_space<hbm>>
      tpu.wait_dma2 semaphore(%arg10 : memref<!tpu.dma_semaphore, #tpu.memory_space<semaphore_mem>>) src(%dma_wait3A_81 : memref<80x128xf32, #tpu.memory_space<hbm>>) dst(%dma_wait3A_78 : memref<80x128xf32, #tpu.memory_space<vmem>>)
      "tpu.region"() ({
        %run_scoped3A_89 = tpu.sem_alloc : memref<!tpu.dma_semaphore, #tpu.memory_space<semaphore_mem>>
        %dma_start3A_90 = arith.constant 0 : i32
        %dma_start3A_91 = arith.constant 0 : i32
        %dma_start3A_92 = tpu.memref_slice %arg8[%rem3A_59, %dma_start3A_90, %dma_start3A_91] : memref<2x80x128xf32, #tpu.memory_space<vmem>> -> memref<1x80x128xf32, #tpu.memory_space<vmem>>
        %dma_start3A_93 = tpu.memref_squeeze %dma_start3A_92 : memref<1x80x128xf32, #tpu.memory_space<vmem>> -> memref<80x128xf32, #tpu.memory_space<vmem>>
        %dma_start3A_94 = arith.constant 0 : i32
        %dma_start3A_95 = tpu.memref_slice %arg7[%rem3A_59, %dma_start3A_94] : memref<2x80xi32, #tpu.memory_space<vmem>> -> memref<1x80xi32, #tpu.memory_space<vmem>>
        %dma_start3A_96 = tpu.memref_squeeze %dma_start3A_95 : memref<1x80xi32, #tpu.memory_space<vmem>> -> memref<80xi32, #tpu.memory_space<vmem>>
        %dma_start3A_97 = arith.constant 0 : i32
        %dma_start3A_98 = arith.constant 0 : i32
        %dma_start3A_99 = tpu.memref_slice %arg9[%dma_start3A_97, %dma_start3A_98] : memref<10240x128xf32, #tpu.memory_space<vmem_shared>> -> memref<10240x128xf32, #tpu.memory_space<vmem_shared>>
        tpu.enqueue_indirect_dma source(%dma_start3A_93 : memref<80x128xf32, #tpu.memory_space<vmem>>) target(%dma_start3A_99 : memref<10240x128xf32, #tpu.memory_space<vmem_shared>>) offsets(%dma_start3A_96 : memref<80xi32, #tpu.memory_space<vmem>>) semaphore(%run_scoped3A_89 : memref<!tpu.dma_semaphore, #tpu.memory_space<semaphore_mem>>) {add = true}
        %dma_wait3A_100 = arith.constant 0 : i32
        %dma_wait3A_101 = arith.constant 0 : i32
        %dma_wait3A_102 = tpu.memref_slice %arg8[%rem3A_59, %dma_wait3A_100, %dma_wait3A_101] : memref<2x80x128xf32, #tpu.memory_space<vmem>> -> memref<1x80x128xf32, #tpu.memory_space<vmem>>
        %dma_wait3A_103 = tpu.memref_squeeze %dma_wait3A_102 : memref<1x80x128xf32, #tpu.memory_space<vmem>> -> memref<80x128xf32, #tpu.memory_space<vmem>>
        %dma_wait3A_104 = arith.constant 0 : i32
        %dma_wait3A_105 = tpu.memref_slice %arg7[%rem3A_59, %dma_wait3A_104] : memref<2x80xi32, #tpu.memory_space<vmem>> -> memref<1x80xi32, #tpu.memory_space<vmem>>
        %dma_wait3A_106 = tpu.memref_squeeze %dma_wait3A_105 : memref<1x80xi32, #tpu.memory_space<vmem>> -> memref<80xi32, #tpu.memory_space<vmem>>
        %dma_wait3A_107 = arith.constant 0 : i32
        %dma_wait3A_108 = arith.constant 0 : i32
        %dma_wait3A_109 = tpu.memref_slice %arg9[%dma_wait3A_107, %dma_wait3A_108] : memref<10240x128xf32, #tpu.memory_space<vmem_shared>> -> memref<10240x128xf32, #tpu.memory_space<vmem_shared>>
        tpu.wait_indirect_dma semaphore(%run_scoped3A_89 : memref<!tpu.dma_semaphore, #tpu.memory_space<semaphore_mem>>) src(%dma_wait3A_103 : memref<80x128xf32, #tpu.memory_space<vmem>>) dst(%dma_wait3A_109 : memref<10240x128xf32, #tpu.memory_space<vmem_shared>>)
        tpu.yield
      }) : () -> ()
      %add3A_82 = arith.constant 2 : i32
      %add3A_83 = arith.addi %scan3A_58, %add3A_82 : i32
      %lt3A_84 = arith.constant 125 : i32
      %lt3A_85 = arith.cmpi slt, %add3A_83, %lt3A_84 : i32
      %convert_element_type3A_86 = arith.extui %lt3A_85 : i1 to i32
      %cond3A_87 = arith.constant 0 : i32
      %cond3A_88 = arith.cmpi ne, %convert_element_type3A_86, %cond3A_87 : i32
      scf.if %cond3A_88 {
        %add3A_89 = arith.constant 2 : i32
        %add3A_90 = arith.addi %scan3A_58, %add3A_89 : i32
        %dma_start3A_91 = arith.constant 0 : i32
        %dma_start3A_92 = arith.constant 0 : i32
        %dma_start3A_93 = tpu.memref_slice %arg6[%rem3A_59, %dma_start3A_92] : memref<2x80xi32, #tpu.memory_space<vmem>> -> memref<1x80xi32, #tpu.memory_space<vmem>>
        %dma_start3A_94 = tpu.memref_squeeze %dma_start3A_93 : memref<1x80xi32, #tpu.memory_space<vmem>> -> memref<80xi32, #tpu.memory_space<vmem>>
        %dma_start3A_95 = arith.constant 0 : i32
        %dma_start3A_96 = tpu.memref_slice %arg2[%dma_start3A_91, %add3A, %add3A_90, %dma_start3A_95] : memref<2x32x125x80xi32, #tpu.memory_space<hbm>> -> memref<1x1x1x80xi32, #tpu.memory_space<hbm>>
        %dma_start3A_97 = tpu.memref_squeeze %dma_start3A_96 : memref<1x1x1x80xi32, #tpu.memory_space<hbm>> -> memref<80xi32, #tpu.memory_space<hbm>>
        %dma_start3A_98 = arith.constant 0 : i32
        %dma_start3A_99 = tpu.memref_slice %arg6[%rem3A_59, %dma_start3A_98] : memref<2x80xi32, #tpu.memory_space<vmem>> -> memref<1x80xi32, #tpu.memory_space<vmem>>
        %dma_start3A_100 = tpu.memref_squeeze %dma_start3A_99 : memref<1x80xi32, #tpu.memory_space<vmem>> -> memref<80xi32, #tpu.memory_space<vmem>>
        %dma_start3A_101 = arith.constant 0 : i32
        %dma_start3A_102 = tpu.memref_slice %arg2[%dma_start3A_91, %add3A, %add3A_90, %dma_start3A_101] : memref<2x32x125x80xi32, #tpu.memory_space<hbm>> -> memref<1x1x1x80xi32, #tpu.memory_space<hbm>>
        %dma_start3A_103 = tpu.memref_squeeze %dma_start3A_102 : memref<1x1x1x80xi32, #tpu.memory_space<hbm>> -> memref<80xi32, #tpu.memory_space<hbm>>
        tpu.enqueue_dma source(%dma_start3A_103 : memref<80xi32, #tpu.memory_space<hbm>>) target(%dma_start3A_100 : memref<80xi32, #tpu.memory_space<vmem>>) target_semaphore(%arg11 : memref<!tpu.dma_semaphore, #tpu.memory_space<semaphore_mem>>)
        %add3A_104 = arith.constant 2 : i32
        %add3A_105 = arith.addi %scan3A_58, %add3A_104 : i32
        %dma_start3A_106 = arith.constant 1 : i32
        %dma_start3A_107 = arith.constant 0 : i32
        %dma_start3A_108 = tpu.memref_slice %arg7[%rem3A_59, %dma_start3A_107] : memref<2x80xi32, #tpu.memory_space<vmem>> -> memref<1x80xi32, #tpu.memory_space<vmem>>
        %dma_start3A_109 = tpu.memref_squeeze %dma_start3A_108 : memref<1x80xi32, #tpu.memory_space<vmem>> -> memref<80xi32, #tpu.memory_space<vmem>>
        %dma_start3A_110 = arith.constant 0 : i32
        %dma_start3A_111 = tpu.memref_slice %arg2[%dma_start3A_106, %add3A, %add3A_105, %dma_start3A_110] : memref<2x32x125x80xi32, #tpu.memory_space<hbm>> -> memref<1x1x1x80xi32, #tpu.memory_space<hbm>>
        %dma_start3A_112 = tpu.memref_squeeze %dma_start3A_111 : memref<1x1x1x80xi32, #tpu.memory_space<hbm>> -> memref<80xi32, #tpu.memory_space<hbm>>
        %dma_start3A_113 = arith.constant 0 : i32
        %dma_start3A_114 = tpu.memref_slice %arg7[%rem3A_59, %dma_start3A_113] : memref<2x80xi32, #tpu.memory_space<vmem>> -> memref<1x80xi32, #tpu.memory_space<vmem>>
        %dma_start3A_115 = tpu.memref_squeeze %dma_start3A_114 : memref<1x80xi32, #tpu.memory_space<vmem>> -> memref<80xi32, #tpu.memory_space<vmem>>
        %dma_start3A_116 = arith.constant 0 : i32
        %dma_start3A_117 = tpu.memref_slice %arg2[%dma_start3A_106, %add3A, %add3A_105, %dma_start3A_116] : memref<2x32x125x80xi32, #tpu.memory_space<hbm>> -> memref<1x1x1x80xi32, #tpu.memory_space<hbm>>
        %dma_start3A_118 = tpu.memref_squeeze %dma_start3A_117 : memref<1x1x1x80xi32, #tpu.memory_space<hbm>> -> memref<80xi32, #tpu.memory_space<hbm>>
        tpu.enqueue_dma source(%dma_start3A_118 : memref<80xi32, #tpu.memory_space<hbm>>) target(%dma_start3A_115 : memref<80xi32, #tpu.memory_space<vmem>>) target_semaphore(%arg11 : memref<!tpu.dma_semaphore, #tpu.memory_space<semaphore_mem>>)
      } else {
      }
    }
    %scan3A_53 = arith.constant 125 : i32
    %barrier3A_54 = arith.constant 0 : index
    tpu.barrier barrier_id(%barrier3A_54)
    %mul3A_55 = arith.constant 10240 : i32
    %mul3A_56 = arith.muli %arg0, %mul3A_55 : i32
    %add3A_57 = arith.addi %mul3A_56, %mul3A_2 : i32
    "tpu.region"() ({
      %run_scoped3A_58 = tpu.sem_alloc : memref<!tpu.dma_semaphore, #tpu.memory_space<semaphore_mem>>
      %dma_start3A_59 = arith.constant 0 : i32
      %dma_start3A_60 = tpu.memref_slice %arg5[%add3A_57, %dma_start3A_59] : memref<20480x128xf32, #tpu.memory_space<hbm>> -> memref<640x128xf32, #tpu.memory_space<hbm>>
      %dma_start3A_61 = arith.constant 0 : i32
      %dma_start3A_62 = tpu.memref_slice %arg9[%mul3A_2, %dma_start3A_61] : memref<10240x128xf32, #tpu.memory_space<vmem_shared>> -> memref<640x128xf32, #tpu.memory_space<vmem_shared>>
      tpu.enqueue_dma source(%dma_start3A_62 : memref<640x128xf32, #tpu.memory_space<vmem_shared>>) target(%dma_start3A_60 : memref<640x128xf32, #tpu.memory_space<hbm>>) target_semaphore(%run_scoped3A_58 : memref<!tpu.dma_semaphore, #tpu.memory_space<semaphore_mem>>)
      %dma_wait3A = arith.constant 0 : i32
      %dma_wait3A_63 = tpu.memref_slice %arg5[%add3A_57, %dma_wait3A] : memref<20480x128xf32, #tpu.memory_space<hbm>> -> memref<640x128xf32, #tpu.memory_space<hbm>>
      %dma_wait3A_64 = arith.constant 0 : i32
      %dma_wait3A_65 = tpu.memref_slice %arg9[%mul3A_2, %dma_wait3A_64] : memref<10240x128xf32, #tpu.memory_space<vmem_shared>> -> memref<640x128xf32, #tpu.memory_space<vmem_shared>>
      tpu.wait_dma2 semaphore(%run_scoped3A_58 : memref<!tpu.dma_semaphore, #tpu.memory_space<semaphore_mem>>) src(%dma_wait3A_65 : memref<640x128xf32, #tpu.memory_space<vmem_shared>>) dst(%dma_wait3A_63 : memref<640x128xf32, #tpu.memory_space<hbm>>)
      tpu.yield
    }) : () -> ()
    return
  }
}

#map = affine_map<(d0, d1) -> (0, 0, 0, 0)>
#map1 = affine_map<(d0, d1) -> (0, 0)>
module attributes {stable_mosaic.version = 14 : i64} {
  func.func @_deg(%arg0: i32, %arg1: i32, %arg2: memref<2x32x125x80xi32, #tpu.memory_space<hbm>>, %arg3: memref<80x128xf32, #tpu.memory_space<hbm>>, %arg4: memref<10240x128xf32, #tpu.memory_space<hbm>>, %arg5: memref<20480x128xf32, #tpu.memory_space<hbm>>, %arg6: memref<2x80xi32, #tpu.memory_space<vmem>>, %arg7: memref<80x128xf32, #tpu.memory_space<vmem>>, %arg8: memref<10240x128xf32, #tpu.memory_space<vmem_shared>>, %arg9: memref<!tpu.dma_semaphore, #tpu.memory_space<semaphore_mem>>) attributes {dimension_semantics = [#tpu.dimension_semantics<core_parallel>, #tpu.dimension_semantics<subcore_parallel>], iteration_bounds = array<i64: 2, 16>, scalar_prefetch = 0 : i64, scratch_operands = 4 : i64, tpu.core_type = #tpu.core_type<sc_vector_subcore>, window_params = [{transform_indices = #map}, {transform_indices = #map1}, {transform_indices = #map1}, {transform_indices = #map1}]} {
    %mul3A = arith.constant 16 : i32
    %mul3A_0 = arith.muli %arg0, %mul3A : i32
    %add3A = arith.addi %mul3A_0, %arg1 : i32
    %mul3A_1 = arith.constant 640 : i32
    %mul3A_2 = arith.muli %arg1, %mul3A_1 : i32
    "tpu.region"() ({
      %run_scoped3A_28 = tpu.sem_alloc : memref<!tpu.dma_semaphore, #tpu.memory_space<semaphore_mem>>
      tpu.enqueue_dma source(%arg3 : memref<80x128xf32, #tpu.memory_space<hbm>>) target(%arg7 : memref<80x128xf32, #tpu.memory_space<vmem>>) target_semaphore(%run_scoped3A_28 : memref<!tpu.dma_semaphore, #tpu.memory_space<semaphore_mem>>)
      tpu.wait_dma2 semaphore(%run_scoped3A_28 : memref<!tpu.dma_semaphore, #tpu.memory_space<semaphore_mem>>) src(%arg3 : memref<80x128xf32, #tpu.memory_space<hbm>>) dst(%arg7 : memref<80x128xf32, #tpu.memory_space<vmem>>)
      tpu.yield
    }) : () -> ()
    %run_scoped3A = arith.constant 1 : i32
    %run_scoped3A_3 = arith.constant 0 : i32
    %run_scoped3A_4 = arith.constant 0 : i32
    "tpu.region"() ({
      %run_scoped3A_28 = tpu.sem_alloc : memref<!tpu.dma_semaphore, #tpu.memory_space<semaphore_mem>>
      %dma_start3A_29 = arith.constant 0 : i32
      %dma_start3A_30 = tpu.memref_slice %arg6[%run_scoped3A_4, %dma_start3A_29] : memref<2x80xi32, #tpu.memory_space<vmem>> -> memref<1x80xi32, #tpu.memory_space<vmem>>
      %dma_start3A_31 = tpu.memref_squeeze %dma_start3A_30 : memref<1x80xi32, #tpu.memory_space<vmem>> -> memref<80xi32, #tpu.memory_space<vmem>>
      %dma_start3A_32 = arith.constant 0 : i32
      %dma_start3A_33 = tpu.memref_slice %arg2[%run_scoped3A, %add3A, %run_scoped3A_3, %dma_start3A_32] : memref<2x32x125x80xi32, #tpu.memory_space<hbm>> -> memref<1x1x1x80xi32, #tpu.memory_space<hbm>>
      %dma_start3A_34 = tpu.memref_squeeze %dma_start3A_33 : memref<1x1x1x80xi32, #tpu.memory_space<hbm>> -> memref<80xi32, #tpu.memory_space<hbm>>
      %dma_start3A_35 = arith.constant 0 : i32
      %dma_start3A_36 = tpu.memref_slice %arg6[%run_scoped3A_4, %dma_start3A_35] : memref<2x80xi32, #tpu.memory_space<vmem>> -> memref<1x80xi32, #tpu.memory_space<vmem>>
      %dma_start3A_37 = tpu.memref_squeeze %dma_start3A_36 : memref<1x80xi32, #tpu.memory_space<vmem>> -> memref<80xi32, #tpu.memory_space<vmem>>
      %dma_start3A_38 = arith.constant 0 : i32
      %dma_start3A_39 = tpu.memref_slice %arg2[%run_scoped3A, %add3A, %run_scoped3A_3, %dma_start3A_38] : memref<2x32x125x80xi32, #tpu.memory_space<hbm>> -> memref<1x1x1x80xi32, #tpu.memory_space<hbm>>
      %dma_start3A_40 = tpu.memref_squeeze %dma_start3A_39 : memref<1x1x1x80xi32, #tpu.memory_space<hbm>> -> memref<80xi32, #tpu.memory_space<hbm>>
      tpu.enqueue_dma source(%dma_start3A_40 : memref<80xi32, #tpu.memory_space<hbm>>) target(%dma_start3A_37 : memref<80xi32, #tpu.memory_space<vmem>>) target_semaphore(%run_scoped3A_28 : memref<!tpu.dma_semaphore, #tpu.memory_space<semaphore_mem>>)
      %dma_wait3A = arith.constant 0 : i32
      %dma_wait3A_41 = tpu.memref_slice %arg6[%run_scoped3A_4, %dma_wait3A] : memref<2x80xi32, #tpu.memory_space<vmem>> -> memref<1x80xi32, #tpu.memory_space<vmem>>
      %dma_wait3A_42 = tpu.memref_squeeze %dma_wait3A_41 : memref<1x80xi32, #tpu.memory_space<vmem>> -> memref<80xi32, #tpu.memory_space<vmem>>
      %dma_wait3A_43 = arith.constant 0 : i32
      %dma_wait3A_44 = tpu.memref_slice %arg2[%run_scoped3A, %add3A, %run_scoped3A_3, %dma_wait3A_43] : memref<2x32x125x80xi32, #tpu.memory_space<hbm>> -> memref<1x1x1x80xi32, #tpu.memory_space<hbm>>
      %dma_wait3A_45 = tpu.memref_squeeze %dma_wait3A_44 : memref<1x1x1x80xi32, #tpu.memory_space<hbm>> -> memref<80xi32, #tpu.memory_space<hbm>>
      %dma_wait3A_46 = arith.constant 0 : i32
      %dma_wait3A_47 = tpu.memref_slice %arg6[%run_scoped3A_4, %dma_wait3A_46] : memref<2x80xi32, #tpu.memory_space<vmem>> -> memref<1x80xi32, #tpu.memory_space<vmem>>
      %dma_wait3A_48 = tpu.memref_squeeze %dma_wait3A_47 : memref<1x80xi32, #tpu.memory_space<vmem>> -> memref<80xi32, #tpu.memory_space<vmem>>
      %dma_wait3A_49 = arith.constant 0 : i32
      %dma_wait3A_50 = tpu.memref_slice %arg2[%run_scoped3A, %add3A, %run_scoped3A_3, %dma_wait3A_49] : memref<2x32x125x80xi32, #tpu.memory_space<hbm>> -> memref<1x1x1x80xi32, #tpu.memory_space<hbm>>
      %dma_wait3A_51 = tpu.memref_squeeze %dma_wait3A_50 : memref<1x1x1x80xi32, #tpu.memory_space<hbm>> -> memref<80xi32, #tpu.memory_space<hbm>>
      tpu.wait_dma2 semaphore(%run_scoped3A_28 : memref<!tpu.dma_semaphore, #tpu.memory_space<semaphore_mem>>) src(%dma_wait3A_51 : memref<80xi32, #tpu.memory_space<hbm>>) dst(%dma_wait3A_48 : memref<80xi32, #tpu.memory_space<vmem>>)
      tpu.yield
    }) : () -> ()
    "tpu.region"() ({
      %run_scoped3A_28 = tpu.sem_alloc : memref<!tpu.dma_semaphore, #tpu.memory_space<semaphore_mem>>
      %dma_start3A_29 = arith.constant 0 : i32
      %dma_start3A_30 = tpu.memref_slice %arg8[%mul3A_2, %dma_start3A_29] : memref<10240x128xf32, #tpu.memory_space<vmem_shared>> -> memref<640x128xf32, #tpu.memory_space<vmem_shared>>
      %dma_start3A_31 = arith.constant 0 : i32
      %dma_start3A_32 = tpu.memref_slice %arg4[%mul3A_2, %dma_start3A_31] : memref<10240x128xf32, #tpu.memory_space<hbm>> -> memref<640x128xf32, #tpu.memory_space<hbm>>
      tpu.enqueue_dma source(%dma_start3A_32 : memref<640x128xf32, #tpu.memory_space<hbm>>) target(%dma_start3A_30 : memref<640x128xf32, #tpu.memory_space<vmem_shared>>) target_semaphore(%run_scoped3A_28 : memref<!tpu.dma_semaphore, #tpu.memory_space<semaphore_mem>>)
      %dma_wait3A = arith.constant 0 : i32
      %dma_wait3A_33 = tpu.memref_slice %arg8[%mul3A_2, %dma_wait3A] : memref<10240x128xf32, #tpu.memory_space<vmem_shared>> -> memref<640x128xf32, #tpu.memory_space<vmem_shared>>
      %dma_wait3A_34 = arith.constant 0 : i32
      %dma_wait3A_35 = tpu.memref_slice %arg4[%mul3A_2, %dma_wait3A_34] : memref<10240x128xf32, #tpu.memory_space<hbm>> -> memref<640x128xf32, #tpu.memory_space<hbm>>
      tpu.wait_dma2 semaphore(%run_scoped3A_28 : memref<!tpu.dma_semaphore, #tpu.memory_space<semaphore_mem>>) src(%dma_wait3A_35 : memref<640x128xf32, #tpu.memory_space<hbm>>) dst(%dma_wait3A_33 : memref<640x128xf32, #tpu.memory_space<vmem_shared>>)
      tpu.yield
    }) : () -> ()
    %barrier3A = arith.constant 0 : index
    tpu.barrier barrier_id(%barrier3A)
    %dma_start3A = arith.constant 1 : i32
    %dma_start3A_5 = arith.constant 1 : i32
    %dma_start3A_6 = arith.constant 1 : i32
    %dma_start3A_7 = arith.constant 0 : i32
    %dma_start3A_8 = tpu.memref_slice %arg6[%dma_start3A_6, %dma_start3A_7] : memref<2x80xi32, #tpu.memory_space<vmem>> -> memref<1x80xi32, #tpu.memory_space<vmem>>
    %dma_start3A_9 = tpu.memref_squeeze %dma_start3A_8 : memref<1x80xi32, #tpu.memory_space<vmem>> -> memref<80xi32, #tpu.memory_space<vmem>>
    %dma_start3A_10 = arith.constant 0 : i32
    %dma_start3A_11 = tpu.memref_slice %arg2[%dma_start3A, %add3A, %dma_start3A_5, %dma_start3A_10] : memref<2x32x125x80xi32, #tpu.memory_space<hbm>> -> memref<1x1x1x80xi32, #tpu.memory_space<hbm>>
    %dma_start3A_12 = tpu.memref_squeeze %dma_start3A_11 : memref<1x1x1x80xi32, #tpu.memory_space<hbm>> -> memref<80xi32, #tpu.memory_space<hbm>>
    %dma_start3A_13 = arith.constant 0 : i32
    %dma_start3A_14 = tpu.memref_slice %arg6[%dma_start3A_6, %dma_start3A_13] : memref<2x80xi32, #tpu.memory_space<vmem>> -> memref<1x80xi32, #tpu.memory_space<vmem>>
    %dma_start3A_15 = tpu.memref_squeeze %dma_start3A_14 : memref<1x80xi32, #tpu.memory_space<vmem>> -> memref<80xi32, #tpu.memory_space<vmem>>
    %dma_start3A_16 = arith.constant 0 : i32
    %dma_start3A_17 = tpu.memref_slice %arg2[%dma_start3A, %add3A, %dma_start3A_5, %dma_start3A_16] : memref<2x32x125x80xi32, #tpu.memory_space<hbm>> -> memref<1x1x1x80xi32, #tpu.memory_space<hbm>>
    %dma_start3A_18 = tpu.memref_squeeze %dma_start3A_17 : memref<1x1x1x80xi32, #tpu.memory_space<hbm>> -> memref<80xi32, #tpu.memory_space<hbm>>
    tpu.enqueue_dma source(%dma_start3A_18 : memref<80xi32, #tpu.memory_space<hbm>>) target(%dma_start3A_15 : memref<80xi32, #tpu.memory_space<vmem>>) target_semaphore(%arg9 : memref<!tpu.dma_semaphore, #tpu.memory_space<semaphore_mem>>)
    %scan3A = arith.constant 0 : i32
    %scan3A_19 = arith.constant 0 : i32
    %scan3A_20 = arith.constant 125 : i32
    %scan3A_21 = arith.addi %scan3A_19, %scan3A_20 : i32
    %scan3A_22 = arith.constant 1 : i32
    scf.for %scan3A_28 = %scan3A_19 to %scan3A_21 step %scan3A_22  : i32 {
      %rem3A = arith.constant 2 : i32
      %rem3A_29 = arith.remsi %scan3A_28, %rem3A : i32
      "tpu.region"() ({
        %run_scoped3A_41 = tpu.sem_alloc : memref<!tpu.dma_semaphore, #tpu.memory_space<semaphore_mem>>
        %dma_start3A_42 = arith.constant 0 : i32
        %dma_start3A_43 = tpu.memref_slice %arg6[%rem3A_29, %dma_start3A_42] : memref<2x80xi32, #tpu.memory_space<vmem>> -> memref<1x80xi32, #tpu.memory_space<vmem>>
        %dma_start3A_44 = tpu.memref_squeeze %dma_start3A_43 : memref<1x80xi32, #tpu.memory_space<vmem>> -> memref<80xi32, #tpu.memory_space<vmem>>
        %dma_start3A_45 = arith.constant 0 : i32
        %dma_start3A_46 = arith.constant 0 : i32
        %dma_start3A_47 = tpu.memref_slice %arg8[%dma_start3A_45, %dma_start3A_46] : memref<10240x128xf32, #tpu.memory_space<vmem_shared>> -> memref<10240x128xf32, #tpu.memory_space<vmem_shared>>
        tpu.enqueue_indirect_dma source(%arg7 : memref<80x128xf32, #tpu.memory_space<vmem>>) target(%dma_start3A_47 : memref<10240x128xf32, #tpu.memory_space<vmem_shared>>) offsets(%dma_start3A_44 : memref<80xi32, #tpu.memory_space<vmem>>) semaphore(%run_scoped3A_41 : memref<!tpu.dma_semaphore, #tpu.memory_space<semaphore_mem>>) {add = true}
        %dma_wait3A = arith.constant 0 : i32
        %dma_wait3A_48 = tpu.memref_slice %arg6[%rem3A_29, %dma_wait3A] : memref<2x80xi32, #tpu.memory_space<vmem>> -> memref<1x80xi32, #tpu.memory_space<vmem>>
        %dma_wait3A_49 = tpu.memref_squeeze %dma_wait3A_48 : memref<1x80xi32, #tpu.memory_space<vmem>> -> memref<80xi32, #tpu.memory_space<vmem>>
        %dma_wait3A_50 = arith.constant 0 : i32
        %dma_wait3A_51 = arith.constant 0 : i32
        %dma_wait3A_52 = tpu.memref_slice %arg8[%dma_wait3A_50, %dma_wait3A_51] : memref<10240x128xf32, #tpu.memory_space<vmem_shared>> -> memref<10240x128xf32, #tpu.memory_space<vmem_shared>>
        tpu.wait_indirect_dma semaphore(%run_scoped3A_41 : memref<!tpu.dma_semaphore, #tpu.memory_space<semaphore_mem>>) src(%arg7 : memref<80x128xf32, #tpu.memory_space<vmem>>) dst(%dma_wait3A_52 : memref<10240x128xf32, #tpu.memory_space<vmem_shared>>)
        tpu.yield
      }) : () -> ()
      %add3A_30 = arith.constant 2 : i32
      %add3A_31 = arith.addi %scan3A_28, %add3A_30 : i32
      %lt3A = arith.constant 125 : i32
      %lt3A_32 = arith.cmpi slt, %add3A_31, %lt3A : i32
      %convert_element_type3A = arith.extui %lt3A_32 : i1 to i32
      %cond3A = arith.constant 0 : i32
      %cond3A_33 = arith.cmpi ne, %convert_element_type3A, %cond3A : i32
      scf.if %cond3A_33 {
        %add3A_41 = arith.constant 2 : i32
        %add3A_42 = arith.addi %scan3A_28, %add3A_41 : i32
        %dma_start3A_43 = arith.constant 1 : i32
        %dma_start3A_44 = arith.constant 0 : i32
        %dma_start3A_45 = tpu.memref_slice %arg6[%rem3A_29, %dma_start3A_44] : memref<2x80xi32, #tpu.memory_space<vmem>> -> memref<1x80xi32, #tpu.memory_space<vmem>>
        %dma_start3A_46 = tpu.memref_squeeze %dma_start3A_45 : memref<1x80xi32, #tpu.memory_space<vmem>> -> memref<80xi32, #tpu.memory_space<vmem>>
        %dma_start3A_47 = arith.constant 0 : i32
        %dma_start3A_48 = tpu.memref_slice %arg2[%dma_start3A_43, %add3A, %add3A_42, %dma_start3A_47] : memref<2x32x125x80xi32, #tpu.memory_space<hbm>> -> memref<1x1x1x80xi32, #tpu.memory_space<hbm>>
        %dma_start3A_49 = tpu.memref_squeeze %dma_start3A_48 : memref<1x1x1x80xi32, #tpu.memory_space<hbm>> -> memref<80xi32, #tpu.memory_space<hbm>>
        %dma_start3A_50 = arith.constant 0 : i32
        %dma_start3A_51 = tpu.memref_slice %arg6[%rem3A_29, %dma_start3A_50] : memref<2x80xi32, #tpu.memory_space<vmem>> -> memref<1x80xi32, #tpu.memory_space<vmem>>
        %dma_start3A_52 = tpu.memref_squeeze %dma_start3A_51 : memref<1x80xi32, #tpu.memory_space<vmem>> -> memref<80xi32, #tpu.memory_space<vmem>>
        %dma_start3A_53 = arith.constant 0 : i32
        %dma_start3A_54 = tpu.memref_slice %arg2[%dma_start3A_43, %add3A, %add3A_42, %dma_start3A_53] : memref<2x32x125x80xi32, #tpu.memory_space<hbm>> -> memref<1x1x1x80xi32, #tpu.memory_space<hbm>>
        %dma_start3A_55 = tpu.memref_squeeze %dma_start3A_54 : memref<1x1x1x80xi32, #tpu.memory_space<hbm>> -> memref<80xi32, #tpu.memory_space<hbm>>
        tpu.enqueue_dma source(%dma_start3A_55 : memref<80xi32, #tpu.memory_space<hbm>>) target(%dma_start3A_52 : memref<80xi32, #tpu.memory_space<vmem>>) target_semaphore(%arg9 : memref<!tpu.dma_semaphore, #tpu.memory_space<semaphore_mem>>)
      } else {
      }
      %add3A_34 = arith.constant 1 : i32
      %add3A_35 = arith.addi %scan3A_28, %add3A_34 : i32
      %lt3A_36 = arith.constant 125 : i32
      %lt3A_37 = arith.cmpi slt, %add3A_35, %lt3A_36 : i32
      %convert_element_type3A_38 = arith.extui %lt3A_37 : i1 to i32
      %cond3A_39 = arith.constant 0 : i32
      %cond3A_40 = arith.cmpi ne, %convert_element_type3A_38, %cond3A_39 : i32
      scf.if %cond3A_40 {
        %dma_wait3A = arith.constant 1 : i32
        %dma_wait3A_41 = arith.constant 0 : i32
        %dma_wait3A_42 = arith.constant 0 : i32
        %dma_wait3A_43 = arith.constant 0 : i32
        %dma_wait3A_44 = arith.constant 0 : i32
        %dma_wait3A_45 = tpu.memref_slice %arg6[%dma_wait3A_43, %dma_wait3A_44] : memref<2x80xi32, #tpu.memory_space<vmem>> -> memref<1x80xi32, #tpu.memory_space<vmem>>
        %dma_wait3A_46 = tpu.memref_squeeze %dma_wait3A_45 : memref<1x80xi32, #tpu.memory_space<vmem>> -> memref<80xi32, #tpu.memory_space<vmem>>
        %dma_wait3A_47 = arith.constant 0 : i32
        %dma_wait3A_48 = tpu.memref_slice %arg2[%dma_wait3A, %dma_wait3A_41, %dma_wait3A_42, %dma_wait3A_47] : memref<2x32x125x80xi32, #tpu.memory_space<hbm>> -> memref<1x1x1x80xi32, #tpu.memory_space<hbm>>
        %dma_wait3A_49 = tpu.memref_squeeze %dma_wait3A_48 : memref<1x1x1x80xi32, #tpu.memory_space<hbm>> -> memref<80xi32, #tpu.memory_space<hbm>>
        %dma_wait3A_50 = arith.constant 0 : i32
        %dma_wait3A_51 = tpu.memref_slice %arg6[%dma_wait3A_43, %dma_wait3A_50] : memref<2x80xi32, #tpu.memory_space<vmem>> -> memref<1x80xi32, #tpu.memory_space<vmem>>
        %dma_wait3A_52 = tpu.memref_squeeze %dma_wait3A_51 : memref<1x80xi32, #tpu.memory_space<vmem>> -> memref<80xi32, #tpu.memory_space<vmem>>
        %dma_wait3A_53 = arith.constant 0 : i32
        %dma_wait3A_54 = tpu.memref_slice %arg2[%dma_wait3A, %dma_wait3A_41, %dma_wait3A_42, %dma_wait3A_53] : memref<2x32x125x80xi32, #tpu.memory_space<hbm>> -> memref<1x1x1x80xi32, #tpu.memory_space<hbm>>
        %dma_wait3A_55 = tpu.memref_squeeze %dma_wait3A_54 : memref<1x1x1x80xi32, #tpu.memory_space<hbm>> -> memref<80xi32, #tpu.memory_space<hbm>>
        tpu.wait_dma2 semaphore(%arg9 : memref<!tpu.dma_semaphore, #tpu.memory_space<semaphore_mem>>) src(%dma_wait3A_55 : memref<80xi32, #tpu.memory_space<hbm>>) dst(%dma_wait3A_52 : memref<80xi32, #tpu.memory_space<vmem>>)
      } else {
      }
    }
    %scan3A_23 = arith.constant 125 : i32
    %barrier3A_24 = arith.constant 0 : index
    tpu.barrier barrier_id(%barrier3A_24)
    %mul3A_25 = arith.constant 10240 : i32
    %mul3A_26 = arith.muli %arg0, %mul3A_25 : i32
    %add3A_27 = arith.addi %mul3A_26, %mul3A_2 : i32
    "tpu.region"() ({
      %run_scoped3A_28 = tpu.sem_alloc : memref<!tpu.dma_semaphore, #tpu.memory_space<semaphore_mem>>
      %dma_start3A_29 = arith.constant 0 : i32
      %dma_start3A_30 = tpu.memref_slice %arg5[%add3A_27, %dma_start3A_29] : memref<20480x128xf32, #tpu.memory_space<hbm>> -> memref<640x128xf32, #tpu.memory_space<hbm>>
      %dma_start3A_31 = arith.constant 0 : i32
      %dma_start3A_32 = tpu.memref_slice %arg8[%mul3A_2, %dma_start3A_31] : memref<10240x128xf32, #tpu.memory_space<vmem_shared>> -> memref<640x128xf32, #tpu.memory_space<vmem_shared>>
      tpu.enqueue_dma source(%dma_start3A_32 : memref<640x128xf32, #tpu.memory_space<vmem_shared>>) target(%dma_start3A_30 : memref<640x128xf32, #tpu.memory_space<hbm>>) target_semaphore(%run_scoped3A_28 : memref<!tpu.dma_semaphore, #tpu.memory_space<semaphore_mem>>)
      %dma_wait3A = arith.constant 0 : i32
      %dma_wait3A_33 = tpu.memref_slice %arg5[%add3A_27, %dma_wait3A] : memref<20480x128xf32, #tpu.memory_space<hbm>> -> memref<640x128xf32, #tpu.memory_space<hbm>>
      %dma_wait3A_34 = arith.constant 0 : i32
      %dma_wait3A_35 = tpu.memref_slice %arg8[%mul3A_2, %dma_wait3A_34] : memref<10240x128xf32, #tpu.memory_space<vmem_shared>> -> memref<640x128xf32, #tpu.memory_space<vmem_shared>>
      tpu.wait_dma2 semaphore(%run_scoped3A_28 : memref<!tpu.dma_semaphore, #tpu.memory_space<semaphore_mem>>) src(%dma_wait3A_35 : memref<640x128xf32, #tpu.memory_space<vmem_shared>>) dst(%dma_wait3A_33 : memref<640x128xf32, #tpu.memory_space<hbm>>)
      tpu.yield
    }) : () -> ()
    return
  }
}

#map = affine_map<(d0, d1) -> (0, 0, 0, 0)>
#map1 = affine_map<(d0, d1) -> (0, 0)>
module attributes {stable_mosaic.version = 14 : i64} {
  func.func @agg(%arg0: i32, %arg1: i32, %arg2: memref<2x32x125x80xi32, #tpu.memory_space<hbm>>, %arg3: memref<10000x128xf32, #tpu.memory_space<hbm>>, %arg4: memref<10240x128xf32, #tpu.memory_space<hbm>>, %arg5: memref<20480x128xf32, #tpu.memory_space<hbm>>, %arg6: memref<2x80xi32, #tpu.memory_space<vmem>>, %arg7: memref<2x80xi32, #tpu.memory_space<vmem>>, %arg8: memref<2x80x128xf32, #tpu.memory_space<vmem>>, %arg9: memref<10240x128xf32, #tpu.memory_space<vmem_shared>>, %arg10: memref<!tpu.dma_semaphore, #tpu.memory_space<semaphore_mem>>, %arg11: memref<!tpu.dma_semaphore, #tpu.memory_space<semaphore_mem>>) attributes {dimension_semantics = [#tpu.dimension_semantics<core_parallel>, #tpu.dimension_semantics<subcore_parallel>], iteration_bounds = array<i64: 2, 16>, scalar_prefetch = 0 : i64, scratch_operands = 6 : i64, tpu.core_type = #tpu.core_type<sc_vector_subcore>, window_params = [{transform_indices = #map}, {transform_indices = #map1}, {transform_indices = #map1}, {transform_indices = #map1}]} {
    %mul3A = arith.constant 16 : i32
    %mul3A_0 = arith.muli %arg0, %mul3A : i32
    %add3A = arith.addi %mul3A_0, %arg1 : i32
    %mul3A_1 = arith.constant 640 : i32
    %mul3A_2 = arith.muli %arg1, %mul3A_1 : i32
    %run_scoped3A = arith.constant 0 : i32
    %run_scoped3A_3 = arith.constant 0 : i32
    %run_scoped3A_4 = arith.constant 0 : i32
    "tpu.region"() ({
      %run_scoped3A_58 = tpu.sem_alloc : memref<!tpu.dma_semaphore, #tpu.memory_space<semaphore_mem>>
      %dma_start3A_59 = arith.constant 0 : i32
      %dma_start3A_60 = tpu.memref_slice %arg6[%run_scoped3A_4, %dma_start3A_59] : memref<2x80xi32, #tpu.memory_space<vmem>> -> memref<1x80xi32, #tpu.memory_space<vmem>>
      %dma_start3A_61 = tpu.memref_squeeze %dma_start3A_60 : memref<1x80xi32, #tpu.memory_space<vmem>> -> memref<80xi32, #tpu.memory_space<vmem>>
      %dma_start3A_62 = arith.constant 0 : i32
      %dma_start3A_63 = tpu.memref_slice %arg2[%run_scoped3A, %add3A, %run_scoped3A_3, %dma_start3A_62] : memref<2x32x125x80xi32, #tpu.memory_space<hbm>> -> memref<1x1x1x80xi32, #tpu.memory_space<hbm>>
      %dma_start3A_64 = tpu.memref_squeeze %dma_start3A_63 : memref<1x1x1x80xi32, #tpu.memory_space<hbm>> -> memref<80xi32, #tpu.memory_space<hbm>>
      %dma_start3A_65 = arith.constant 0 : i32
      %dma_start3A_66 = tpu.memref_slice %arg6[%run_scoped3A_4, %dma_start3A_65] : memref<2x80xi32, #tpu.memory_space<vmem>> -> memref<1x80xi32, #tpu.memory_space<vmem>>
      %dma_start3A_67 = tpu.memref_squeeze %dma_start3A_66 : memref<1x80xi32, #tpu.memory_space<vmem>> -> memref<80xi32, #tpu.memory_space<vmem>>
      %dma_start3A_68 = arith.constant 0 : i32
      %dma_start3A_69 = tpu.memref_slice %arg2[%run_scoped3A, %add3A, %run_scoped3A_3, %dma_start3A_68] : memref<2x32x125x80xi32, #tpu.memory_space<hbm>> -> memref<1x1x1x80xi32, #tpu.memory_space<hbm>>
      %dma_start3A_70 = tpu.memref_squeeze %dma_start3A_69 : memref<1x1x1x80xi32, #tpu.memory_space<hbm>> -> memref<80xi32, #tpu.memory_space<hbm>>
      tpu.enqueue_dma source(%dma_start3A_70 : memref<80xi32, #tpu.memory_space<hbm>>) target(%dma_start3A_67 : memref<80xi32, #tpu.memory_space<vmem>>) target_semaphore(%run_scoped3A_58 : memref<!tpu.dma_semaphore, #tpu.memory_space<semaphore_mem>>)
      %dma_wait3A = arith.constant 0 : i32
      %dma_wait3A_71 = tpu.memref_slice %arg6[%run_scoped3A_4, %dma_wait3A] : memref<2x80xi32, #tpu.memory_space<vmem>> -> memref<1x80xi32, #tpu.memory_space<vmem>>
      %dma_wait3A_72 = tpu.memref_squeeze %dma_wait3A_71 : memref<1x80xi32, #tpu.memory_space<vmem>> -> memref<80xi32, #tpu.memory_space<vmem>>
      %dma_wait3A_73 = arith.constant 0 : i32
      %dma_wait3A_74 = tpu.memref_slice %arg2[%run_scoped3A, %add3A, %run_scoped3A_3, %dma_wait3A_73] : memref<2x32x125x80xi32, #tpu.memory_space<hbm>> -> memref<1x1x1x80xi32, #tpu.memory_space<hbm>>
      %dma_wait3A_75 = tpu.memref_squeeze %dma_wait3A_74 : memref<1x1x1x80xi32, #tpu.memory_space<hbm>> -> memref<80xi32, #tpu.memory_space<hbm>>
      %dma_wait3A_76 = arith.constant 0 : i32
      %dma_wait3A_77 = tpu.memref_slice %arg6[%run_scoped3A_4, %dma_wait3A_76] : memref<2x80xi32, #tpu.memory_space<vmem>> -> memref<1x80xi32, #tpu.memory_space<vmem>>
      %dma_wait3A_78 = tpu.memref_squeeze %dma_wait3A_77 : memref<1x80xi32, #tpu.memory_space<vmem>> -> memref<80xi32, #tpu.memory_space<vmem>>
      %dma_wait3A_79 = arith.constant 0 : i32
      %dma_wait3A_80 = tpu.memref_slice %arg2[%run_scoped3A, %add3A, %run_scoped3A_3, %dma_wait3A_79] : memref<2x32x125x80xi32, #tpu.memory_space<hbm>> -> memref<1x1x1x80xi32, #tpu.memory_space<hbm>>
      %dma_wait3A_81 = tpu.memref_squeeze %dma_wait3A_80 : memref<1x1x1x80xi32, #tpu.memory_space<hbm>> -> memref<80xi32, #tpu.memory_space<hbm>>
      tpu.wait_dma2 semaphore(%run_scoped3A_58 : memref<!tpu.dma_semaphore, #tpu.memory_space<semaphore_mem>>) src(%dma_wait3A_81 : memref<80xi32, #tpu.memory_space<hbm>>) dst(%dma_wait3A_78 : memref<80xi32, #tpu.memory_space<vmem>>)
      tpu.yield
    }) : () -> ()
    %run_scoped3A_5 = arith.constant 1 : i32
    %run_scoped3A_6 = arith.constant 0 : i32
    %run_scoped3A_7 = arith.constant 0 : i32
    "tpu.region"() ({
      %run_scoped3A_58 = tpu.sem_alloc : memref<!tpu.dma_semaphore, #tpu.memory_space<semaphore_mem>>
      %dma_start3A_59 = arith.constant 0 : i32
      %dma_start3A_60 = tpu.memref_slice %arg7[%run_scoped3A_7, %dma_start3A_59] : memref<2x80xi32, #tpu.memory_space<vmem>> -> memref<1x80xi32, #tpu.memory_space<vmem>>
      %dma_start3A_61 = tpu.memref_squeeze %dma_start3A_60 : memref<1x80xi32, #tpu.memory_space<vmem>> -> memref<80xi32, #tpu.memory_space<vmem>>
      %dma_start3A_62 = arith.constant 0 : i32
      %dma_start3A_63 = tpu.memref_slice %arg2[%run_scoped3A_5, %add3A, %run_scoped3A_6, %dma_start3A_62] : memref<2x32x125x80xi32, #tpu.memory_space<hbm>> -> memref<1x1x1x80xi32, #tpu.memory_space<hbm>>
      %dma_start3A_64 = tpu.memref_squeeze %dma_start3A_63 : memref<1x1x1x80xi32, #tpu.memory_space<hbm>> -> memref<80xi32, #tpu.memory_space<hbm>>
      %dma_start3A_65 = arith.constant 0 : i32
      %dma_start3A_66 = tpu.memref_slice %arg7[%run_scoped3A_7, %dma_start3A_65] : memref<2x80xi32, #tpu.memory_space<vmem>> -> memref<1x80xi32, #tpu.memory_space<vmem>>
      %dma_start3A_67 = tpu.memref_squeeze %dma_start3A_66 : memref<1x80xi32, #tpu.memory_space<vmem>> -> memref<80xi32, #tpu.memory_space<vmem>>
      %dma_start3A_68 = arith.constant 0 : i32
      %dma_start3A_69 = tpu.memref_slice %arg2[%run_scoped3A_5, %add3A, %run_scoped3A_6, %dma_start3A_68] : memref<2x32x125x80xi32, #tpu.memory_space<hbm>> -> memref<1x1x1x80xi32, #tpu.memory_space<hbm>>
      %dma_start3A_70 = tpu.memref_squeeze %dma_start3A_69 : memref<1x1x1x80xi32, #tpu.memory_space<hbm>> -> memref<80xi32, #tpu.memory_space<hbm>>
      tpu.enqueue_dma source(%dma_start3A_70 : memref<80xi32, #tpu.memory_space<hbm>>) target(%dma_start3A_67 : memref<80xi32, #tpu.memory_space<vmem>>) target_semaphore(%run_scoped3A_58 : memref<!tpu.dma_semaphore, #tpu.memory_space<semaphore_mem>>)
      %dma_wait3A = arith.constant 0 : i32
      %dma_wait3A_71 = tpu.memref_slice %arg7[%run_scoped3A_7, %dma_wait3A] : memref<2x80xi32, #tpu.memory_space<vmem>> -> memref<1x80xi32, #tpu.memory_space<vmem>>
      %dma_wait3A_72 = tpu.memref_squeeze %dma_wait3A_71 : memref<1x80xi32, #tpu.memory_space<vmem>> -> memref<80xi32, #tpu.memory_space<vmem>>
      %dma_wait3A_73 = arith.constant 0 : i32
      %dma_wait3A_74 = tpu.memref_slice %arg2[%run_scoped3A_5, %add3A, %run_scoped3A_6, %dma_wait3A_73] : memref<2x32x125x80xi32, #tpu.memory_space<hbm>> -> memref<1x1x1x80xi32, #tpu.memory_space<hbm>>
      %dma_wait3A_75 = tpu.memref_squeeze %dma_wait3A_74 : memref<1x1x1x80xi32, #tpu.memory_space<hbm>> -> memref<80xi32, #tpu.memory_space<hbm>>
      %dma_wait3A_76 = arith.constant 0 : i32
      %dma_wait3A_77 = tpu.memref_slice %arg7[%run_scoped3A_7, %dma_wait3A_76] : memref<2x80xi32, #tpu.memory_space<vmem>> -> memref<1x80xi32, #tpu.memory_space<vmem>>
      %dma_wait3A_78 = tpu.memref_squeeze %dma_wait3A_77 : memref<1x80xi32, #tpu.memory_space<vmem>> -> memref<80xi32, #tpu.memory_space<vmem>>
      %dma_wait3A_79 = arith.constant 0 : i32
      %dma_wait3A_80 = tpu.memref_slice %arg2[%run_scoped3A_5, %add3A, %run_scoped3A_6, %dma_wait3A_79] : memref<2x32x125x80xi32, #tpu.memory_space<hbm>> -> memref<1x1x1x80xi32, #tpu.memory_space<hbm>>
      %dma_wait3A_81 = tpu.memref_squeeze %dma_wait3A_80 : memref<1x1x1x80xi32, #tpu.memory_space<hbm>> -> memref<80xi32, #tpu.memory_space<hbm>>
      tpu.wait_dma2 semaphore(%run_scoped3A_58 : memref<!tpu.dma_semaphore, #tpu.memory_space<semaphore_mem>>) src(%dma_wait3A_81 : memref<80xi32, #tpu.memory_space<hbm>>) dst(%dma_wait3A_78 : memref<80xi32, #tpu.memory_space<vmem>>)
      tpu.yield
    }) : () -> ()
    "tpu.region"() ({
      %run_scoped3A_58 = tpu.sem_alloc : memref<!tpu.dma_semaphore, #tpu.memory_space<semaphore_mem>>
      %dma_start3A_59 = arith.constant 0 : i32
      %dma_start3A_60 = tpu.memref_slice %arg9[%mul3A_2, %dma_start3A_59] : memref<10240x128xf32, #tpu.memory_space<vmem_shared>> -> memref<640x128xf32, #tpu.memory_space<vmem_shared>>
      %dma_start3A_61 = arith.constant 0 : i32
      %dma_start3A_62 = tpu.memref_slice %arg4[%mul3A_2, %dma_start3A_61] : memref<10240x128xf32, #tpu.memory_space<hbm>> -> memref<640x128xf32, #tpu.memory_space<hbm>>
      tpu.enqueue_dma source(%dma_start3A_62 : memref<640x128xf32, #tpu.memory_space<hbm>>) target(%dma_start3A_60 : memref<640x128xf32, #tpu.memory_space<vmem_shared>>) target_semaphore(%run_scoped3A_58 : memref<!tpu.dma_semaphore, #tpu.memory_space<semaphore_mem>>)
      %dma_wait3A = arith.constant 0 : i32
      %dma_wait3A_63 = tpu.memref_slice %arg9[%mul3A_2, %dma_wait3A] : memref<10240x128xf32, #tpu.memory_space<vmem_shared>> -> memref<640x128xf32, #tpu.memory_space<vmem_shared>>
      %dma_wait3A_64 = arith.constant 0 : i32
      %dma_wait3A_65 = tpu.memref_slice %arg4[%mul3A_2, %dma_wait3A_64] : memref<10240x128xf32, #tpu.memory_space<hbm>> -> memref<640x128xf32, #tpu.memory_space<hbm>>
      tpu.wait_dma2 semaphore(%run_scoped3A_58 : memref<!tpu.dma_semaphore, #tpu.memory_space<semaphore_mem>>) src(%dma_wait3A_65 : memref<640x128xf32, #tpu.memory_space<hbm>>) dst(%dma_wait3A_63 : memref<640x128xf32, #tpu.memory_space<vmem_shared>>)
      tpu.yield
    }) : () -> ()
    %barrier3A = arith.constant 0 : index
    tpu.barrier barrier_id(%barrier3A)
    %dma_start3A = arith.constant 0 : i32
    %dma_start3A_8 = arith.constant 0 : i32
    %dma_start3A_9 = arith.constant 0 : i32
    %dma_start3A_10 = arith.constant 0 : i32
    %dma_start3A_11 = tpu.memref_slice %arg8[%dma_start3A_8, %dma_start3A_9, %dma_start3A_10] : memref<2x80x128xf32, #tpu.memory_space<vmem>> -> memref<1x80x128xf32, #tpu.memory_space<vmem>>
    %dma_start3A_12 = tpu.memref_squeeze %dma_start3A_11 : memref<1x80x128xf32, #tpu.memory_space<vmem>> -> memref<80x128xf32, #tpu.memory_space<vmem>>
    %dma_start3A_13 = arith.constant 0 : i32
    %dma_start3A_14 = tpu.memref_slice %arg6[%dma_start3A, %dma_start3A_13] : memref<2x80xi32, #tpu.memory_space<vmem>> -> memref<1x80xi32, #tpu.memory_space<vmem>>
    %dma_start3A_15 = tpu.memref_squeeze %dma_start3A_14 : memref<1x80xi32, #tpu.memory_space<vmem>> -> memref<80xi32, #tpu.memory_space<vmem>>
    %dma_start3A_16 = arith.constant 0 : i32
    %dma_start3A_17 = arith.constant 0 : i32
    %dma_start3A_18 = tpu.memref_slice %arg3[%dma_start3A_16, %dma_start3A_17] : memref<10000x128xf32, #tpu.memory_space<hbm>> -> memref<10000x128xf32, #tpu.memory_space<hbm>>
    tpu.enqueue_indirect_dma source(%dma_start3A_18 : memref<10000x128xf32, #tpu.memory_space<hbm>>) target(%dma_start3A_12 : memref<80x128xf32, #tpu.memory_space<vmem>>) offsets(%dma_start3A_15 : memref<80xi32, #tpu.memory_space<vmem>>) semaphore(%arg10 : memref<!tpu.dma_semaphore, #tpu.memory_space<semaphore_mem>>)
    %dma_start3A_19 = arith.constant 0 : i32
    %dma_start3A_20 = arith.constant 1 : i32
    %dma_start3A_21 = arith.constant 1 : i32
    %dma_start3A_22 = arith.constant 0 : i32
    %dma_start3A_23 = tpu.memref_slice %arg6[%dma_start3A_21, %dma_start3A_22] : memref<2x80xi32, #tpu.memory_space<vmem>> -> memref<1x80xi32, #tpu.memory_space<vmem>>
    %dma_start3A_24 = tpu.memref_squeeze %dma_start3A_23 : memref<1x80xi32, #tpu.memory_space<vmem>> -> memref<80xi32, #tpu.memory_space<vmem>>
    %dma_start3A_25 = arith.constant 0 : i32
    %dma_start3A_26 = tpu.memref_slice %arg2[%dma_start3A_19, %add3A, %dma_start3A_20, %dma_start3A_25] : memref<2x32x125x80xi32, #tpu.memory_space<hbm>> -> memref<1x1x1x80xi32, #tpu.memory_space<hbm>>
    %dma_start3A_27 = tpu.memref_squeeze %dma_start3A_26 : memref<1x1x1x80xi32, #tpu.memory_space<hbm>> -> memref<80xi32, #tpu.memory_space<hbm>>
    %dma_start3A_28 = arith.constant 0 : i32
    %dma_start3A_29 = tpu.memref_slice %arg6[%dma_start3A_21, %dma_start3A_28] : memref<2x80xi32, #tpu.memory_space<vmem>> -> memref<1x80xi32, #tpu.memory_space<vmem>>
    %dma_start3A_30 = tpu.memref_squeeze %dma_start3A_29 : memref<1x80xi32, #tpu.memory_space<vmem>> -> memref<80xi32, #tpu.memory_space<vmem>>
    %dma_start3A_31 = arith.constant 0 : i32
    %dma_start3A_32 = tpu.memref_slice %arg2[%dma_start3A_19, %add3A, %dma_start3A_20, %dma_start3A_31] : memref<2x32x125x80xi32, #tpu.memory_space<hbm>> -> memref<1x1x1x80xi32, #tpu.memory_space<hbm>>
    %dma_start3A_33 = tpu.memref_squeeze %dma_start3A_32 : memref<1x1x1x80xi32, #tpu.memory_space<hbm>> -> memref<80xi32, #tpu.memory_space<hbm>>
    tpu.enqueue_dma source(%dma_start3A_33 : memref<80xi32, #tpu.memory_space<hbm>>) target(%dma_start3A_30 : memref<80xi32, #tpu.memory_space<vmem>>) target_semaphore(%arg11 : memref<!tpu.dma_semaphore, #tpu.memory_space<semaphore_mem>>)
    %dma_start3A_34 = arith.constant 1 : i32
    %dma_start3A_35 = arith.constant 1 : i32
    %dma_start3A_36 = arith.constant 1 : i32
    %dma_start3A_37 = arith.constant 0 : i32
    %dma_start3A_38 = tpu.memref_slice %arg7[%dma_start3A_36, %dma_start3A_37] : memref<2x80xi32, #tpu.memory_space<vmem>> -> memref<1x80xi32, #tpu.memory_space<vmem>>
    %dma_start3A_39 = tpu.memref_squeeze %dma_start3A_38 : memref<1x80xi32, #tpu.memory_space<vmem>> -> memref<80xi32, #tpu.memory_space<vmem>>
    %dma_start3A_40 = arith.constant 0 : i32
    %dma_start3A_41 = tpu.memref_slice %arg2[%dma_start3A_34, %add3A, %dma_start3A_35, %dma_start3A_40] : memref<2x32x125x80xi32, #tpu.memory_space<hbm>> -> memref<1x1x1x80xi32, #tpu.memory_space<hbm>>
    %dma_start3A_42 = tpu.memref_squeeze %dma_start3A_41 : memref<1x1x1x80xi32, #tpu.memory_space<hbm>> -> memref<80xi32, #tpu.memory_space<hbm>>
    %dma_start3A_43 = arith.constant 0 : i32
    %dma_start3A_44 = tpu.memref_slice %arg7[%dma_start3A_36, %dma_start3A_43] : memref<2x80xi32, #tpu.memory_space<vmem>> -> memref<1x80xi32, #tpu.memory_space<vmem>>
    %dma_start3A_45 = tpu.memref_squeeze %dma_start3A_44 : memref<1x80xi32, #tpu.memory_space<vmem>> -> memref<80xi32, #tpu.memory_space<vmem>>
    %dma_start3A_46 = arith.constant 0 : i32
    %dma_start3A_47 = tpu.memref_slice %arg2[%dma_start3A_34, %add3A, %dma_start3A_35, %dma_start3A_46] : memref<2x32x125x80xi32, #tpu.memory_space<hbm>> -> memref<1x1x1x80xi32, #tpu.memory_space<hbm>>
    %dma_start3A_48 = tpu.memref_squeeze %dma_start3A_47 : memref<1x1x1x80xi32, #tpu.memory_space<hbm>> -> memref<80xi32, #tpu.memory_space<hbm>>
    tpu.enqueue_dma source(%dma_start3A_48 : memref<80xi32, #tpu.memory_space<hbm>>) target(%dma_start3A_45 : memref<80xi32, #tpu.memory_space<vmem>>) target_semaphore(%arg11 : memref<!tpu.dma_semaphore, #tpu.memory_space<semaphore_mem>>)
    %scan3A = arith.constant 0 : i32
    %scan3A_49 = arith.constant 0 : i32
    %scan3A_50 = arith.constant 125 : i32
    %scan3A_51 = arith.addi %scan3A_49, %scan3A_50 : i32
    %scan3A_52 = arith.constant 1 : i32
    scf.for %scan3A_58 = %scan3A_49 to %scan3A_51 step %scan3A_52  : i32 {
      %rem3A = arith.constant 2 : i32
      %rem3A_59 = arith.remsi %scan3A_58, %rem3A : i32
      %add3A_60 = arith.constant 1 : i32
      %add3A_61 = arith.addi %scan3A_58, %add3A_60 : i32
      %rem3A_62 = arith.constant 2 : i32
      %rem3A_63 = arith.remsi %add3A_61, %rem3A_62 : i32
      %add3A_64 = arith.constant 1 : i32
      %add3A_65 = arith.addi %scan3A_58, %add3A_64 : i32
      %lt3A = arith.constant 125 : i32
      %lt3A_66 = arith.cmpi slt, %add3A_65, %lt3A : i32
      %convert_element_type3A = arith.extui %lt3A_66 : i1 to i32
      %cond3A = arith.constant 0 : i32
      %cond3A_67 = arith.cmpi ne, %convert_element_type3A, %cond3A : i32
      scf.if %cond3A_67 {
        %dma_wait3A_89 = arith.constant 0 : i32
        %dma_wait3A_90 = arith.constant 0 : i32
        %dma_wait3A_91 = arith.constant 0 : i32
        %dma_wait3A_92 = arith.constant 0 : i32
        %dma_wait3A_93 = arith.constant 0 : i32
        %dma_wait3A_94 = tpu.memref_slice %arg6[%dma_wait3A_92, %dma_wait3A_93] : memref<2x80xi32, #tpu.memory_space<vmem>> -> memref<1x80xi32, #tpu.memory_space<vmem>>
        %dma_wait3A_95 = tpu.memref_squeeze %dma_wait3A_94 : memref<1x80xi32, #tpu.memory_space<vmem>> -> memref<80xi32, #tpu.memory_space<vmem>>
        %dma_wait3A_96 = arith.constant 0 : i32
        %dma_wait3A_97 = tpu.memref_slice %arg2[%dma_wait3A_89, %dma_wait3A_90, %dma_wait3A_91, %dma_wait3A_96] : memref<2x32x125x80xi32, #tpu.memory_space<hbm>> -> memref<1x1x1x80xi32, #tpu.memory_space<hbm>>
        %dma_wait3A_98 = tpu.memref_squeeze %dma_wait3A_97 : memref<1x1x1x80xi32, #tpu.memory_space<hbm>> -> memref<80xi32, #tpu.memory_space<hbm>>
        %dma_wait3A_99 = arith.constant 0 : i32
        %dma_wait3A_100 = tpu.memref_slice %arg6[%dma_wait3A_92, %dma_wait3A_99] : memref<2x80xi32, #tpu.memory_space<vmem>> -> memref<1x80xi32, #tpu.memory_space<vmem>>
        %dma_wait3A_101 = tpu.memref_squeeze %dma_wait3A_100 : memref<1x80xi32, #tpu.memory_space<vmem>> -> memref<80xi32, #tpu.memory_space<vmem>>
        %dma_wait3A_102 = arith.constant 0 : i32
        %dma_wait3A_103 = tpu.memref_slice %arg2[%dma_wait3A_89, %dma_wait3A_90, %dma_wait3A_91, %dma_wait3A_102] : memref<2x32x125x80xi32, #tpu.memory_space<hbm>> -> memref<1x1x1x80xi32, #tpu.memory_space<hbm>>
        %dma_wait3A_104 = tpu.memref_squeeze %dma_wait3A_103 : memref<1x1x1x80xi32, #tpu.memory_space<hbm>> -> memref<80xi32, #tpu.memory_space<hbm>>
        tpu.wait_dma2 semaphore(%arg11 : memref<!tpu.dma_semaphore, #tpu.memory_space<semaphore_mem>>) src(%dma_wait3A_104 : memref<80xi32, #tpu.memory_space<hbm>>) dst(%dma_wait3A_101 : memref<80xi32, #tpu.memory_space<vmem>>)
        %dma_wait3A_105 = arith.constant 0 : i32
        %dma_wait3A_106 = arith.constant 0 : i32
        %dma_wait3A_107 = arith.constant 0 : i32
        %dma_wait3A_108 = arith.constant 0 : i32
        %dma_wait3A_109 = arith.constant 0 : i32
        %dma_wait3A_110 = tpu.memref_slice %arg7[%dma_wait3A_108, %dma_wait3A_109] : memref<2x80xi32, #tpu.memory_space<vmem>> -> memref<1x80xi32, #tpu.memory_space<vmem>>
        %dma_wait3A_111 = tpu.memref_squeeze %dma_wait3A_110 : memref<1x80xi32, #tpu.memory_space<vmem>> -> memref<80xi32, #tpu.memory_space<vmem>>
        %dma_wait3A_112 = arith.constant 0 : i32
        %dma_wait3A_113 = tpu.memref_slice %arg2[%dma_wait3A_105, %dma_wait3A_106, %dma_wait3A_107, %dma_wait3A_112] : memref<2x32x125x80xi32, #tpu.memory_space<hbm>> -> memref<1x1x1x80xi32, #tpu.memory_space<hbm>>
        %dma_wait3A_114 = tpu.memref_squeeze %dma_wait3A_113 : memref<1x1x1x80xi32, #tpu.memory_space<hbm>> -> memref<80xi32, #tpu.memory_space<hbm>>
        %dma_wait3A_115 = arith.constant 0 : i32
        %dma_wait3A_116 = tpu.memref_slice %arg7[%dma_wait3A_108, %dma_wait3A_115] : memref<2x80xi32, #tpu.memory_space<vmem>> -> memref<1x80xi32, #tpu.memory_space<vmem>>
        %dma_wait3A_117 = tpu.memref_squeeze %dma_wait3A_116 : memref<1x80xi32, #tpu.memory_space<vmem>> -> memref<80xi32, #tpu.memory_space<vmem>>
        %dma_wait3A_118 = arith.constant 0 : i32
        %dma_wait3A_119 = tpu.memref_slice %arg2[%dma_wait3A_105, %dma_wait3A_106, %dma_wait3A_107, %dma_wait3A_118] : memref<2x32x125x80xi32, #tpu.memory_space<hbm>> -> memref<1x1x1x80xi32, #tpu.memory_space<hbm>>
        %dma_wait3A_120 = tpu.memref_squeeze %dma_wait3A_119 : memref<1x1x1x80xi32, #tpu.memory_space<hbm>> -> memref<80xi32, #tpu.memory_space<hbm>>
        tpu.wait_dma2 semaphore(%arg11 : memref<!tpu.dma_semaphore, #tpu.memory_space<semaphore_mem>>) src(%dma_wait3A_120 : memref<80xi32, #tpu.memory_space<hbm>>) dst(%dma_wait3A_117 : memref<80xi32, #tpu.memory_space<vmem>>)
        %dma_start3A_121 = arith.constant 0 : i32
        %dma_start3A_122 = arith.constant 0 : i32
        %dma_start3A_123 = tpu.memref_slice %arg8[%rem3A_63, %dma_start3A_121, %dma_start3A_122] : memref<2x80x128xf32, #tpu.memory_space<vmem>> -> memref<1x80x128xf32, #tpu.memory_space<vmem>>
        %dma_start3A_124 = tpu.memref_squeeze %dma_start3A_123 : memref<1x80x128xf32, #tpu.memory_space<vmem>> -> memref<80x128xf32, #tpu.memory_space<vmem>>
        %dma_start3A_125 = arith.constant 0 : i32
        %dma_start3A_126 = tpu.memref_slice %arg6[%rem3A_63, %dma_start3A_125] : memref<2x80xi32, #tpu.memory_space<vmem>> -> memref<1x80xi32, #tpu.memory_space<vmem>>
        %dma_start3A_127 = tpu.memref_squeeze %dma_start3A_126 : memref<1x80xi32, #tpu.memory_space<vmem>> -> memref<80xi32, #tpu.memory_space<vmem>>
        %dma_start3A_128 = arith.constant 0 : i32
        %dma_start3A_129 = arith.constant 0 : i32
        %dma_start3A_130 = tpu.memref_slice %arg3[%dma_start3A_128, %dma_start3A_129] : memref<10000x128xf32, #tpu.memory_space<hbm>> -> memref<10000x128xf32, #tpu.memory_space<hbm>>
        tpu.enqueue_indirect_dma source(%dma_start3A_130 : memref<10000x128xf32, #tpu.memory_space<hbm>>) target(%dma_start3A_124 : memref<80x128xf32, #tpu.memory_space<vmem>>) offsets(%dma_start3A_127 : memref<80xi32, #tpu.memory_space<vmem>>) semaphore(%arg10 : memref<!tpu.dma_semaphore, #tpu.memory_space<semaphore_mem>>)
      } else {
      }
      %dma_wait3A = arith.constant 0 : i32
      %dma_wait3A_68 = arith.constant 0 : i32
      %dma_wait3A_69 = arith.constant 0 : i32
      %dma_wait3A_70 = tpu.memref_slice %arg8[%dma_wait3A, %dma_wait3A_68, %dma_wait3A_69] : memref<2x80x128xf32, #tpu.memory_space<vmem>> -> memref<1x80x128xf32, #tpu.memory_space<vmem>>
      %dma_wait3A_71 = tpu.memref_squeeze %dma_wait3A_70 : memref<1x80x128xf32, #tpu.memory_space<vmem>> -> memref<80x128xf32, #tpu.memory_space<vmem>>
      %dma_wait3A_72 = arith.constant 0 : i32
      %dma_wait3A_73 = arith.constant 0 : i32
      %dma_wait3A_74 = tpu.memref_slice %arg3[%dma_wait3A_72, %dma_wait3A_73] : memref<10000x128xf32, #tpu.memory_space<hbm>> -> memref<80x128xf32, #tpu.memory_space<hbm>>
      %dma_wait3A_75 = arith.constant 0 : i32
      %dma_wait3A_76 = arith.constant 0 : i32
      %dma_wait3A_77 = tpu.memref_slice %arg8[%dma_wait3A, %dma_wait3A_75, %dma_wait3A_76] : memref<2x80x128xf32, #tpu.memory_space<vmem>> -> memref<1x80x128xf32, #tpu.memory_space<vmem>>
      %dma_wait3A_78 = tpu.memref_squeeze %dma_wait3A_77 : memref<1x80x128xf32, #tpu.memory_space<vmem>> -> memref<80x128xf32, #tpu.memory_space<vmem>>
      %dma_wait3A_79 = arith.constant 0 : i32
      %dma_wait3A_80 = arith.constant 0 : i32
      %dma_wait3A_81 = tpu.memref_slice %arg3[%dma_wait3A_79, %dma_wait3A_80] : memref<10000x128xf32, #tpu.memory_space<hbm>> -> memref<80x128xf32, #tpu.memory_space<hbm>>
      tpu.wait_dma2 semaphore(%arg10 : memref<!tpu.dma_semaphore, #tpu.memory_space<semaphore_mem>>) src(%dma_wait3A_81 : memref<80x128xf32, #tpu.memory_space<hbm>>) dst(%dma_wait3A_78 : memref<80x128xf32, #tpu.memory_space<vmem>>)
      "tpu.region"() ({
        %run_scoped3A_89 = tpu.sem_alloc : memref<!tpu.dma_semaphore, #tpu.memory_space<semaphore_mem>>
        %dma_start3A_90 = arith.constant 0 : i32
        %dma_start3A_91 = arith.constant 0 : i32
        %dma_start3A_92 = tpu.memref_slice %arg8[%rem3A_59, %dma_start3A_90, %dma_start3A_91] : memref<2x80x128xf32, #tpu.memory_space<vmem>> -> memref<1x80x128xf32, #tpu.memory_space<vmem>>
        %dma_start3A_93 = tpu.memref_squeeze %dma_start3A_92 : memref<1x80x128xf32, #tpu.memory_space<vmem>> -> memref<80x128xf32, #tpu.memory_space<vmem>>
        %dma_start3A_94 = arith.constant 0 : i32
        %dma_start3A_95 = tpu.memref_slice %arg7[%rem3A_59, %dma_start3A_94] : memref<2x80xi32, #tpu.memory_space<vmem>> -> memref<1x80xi32, #tpu.memory_space<vmem>>
        %dma_start3A_96 = tpu.memref_squeeze %dma_start3A_95 : memref<1x80xi32, #tpu.memory_space<vmem>> -> memref<80xi32, #tpu.memory_space<vmem>>
        %dma_start3A_97 = arith.constant 0 : i32
        %dma_start3A_98 = arith.constant 0 : i32
        %dma_start3A_99 = tpu.memref_slice %arg9[%dma_start3A_97, %dma_start3A_98] : memref<10240x128xf32, #tpu.memory_space<vmem_shared>> -> memref<10240x128xf32, #tpu.memory_space<vmem_shared>>
        tpu.enqueue_indirect_dma source(%dma_start3A_93 : memref<80x128xf32, #tpu.memory_space<vmem>>) target(%dma_start3A_99 : memref<10240x128xf32, #tpu.memory_space<vmem_shared>>) offsets(%dma_start3A_96 : memref<80xi32, #tpu.memory_space<vmem>>) semaphore(%run_scoped3A_89 : memref<!tpu.dma_semaphore, #tpu.memory_space<semaphore_mem>>) {add = true}
        %dma_wait3A_100 = arith.constant 0 : i32
        %dma_wait3A_101 = arith.constant 0 : i32
        %dma_wait3A_102 = tpu.memref_slice %arg8[%rem3A_59, %dma_wait3A_100, %dma_wait3A_101] : memref<2x80x128xf32, #tpu.memory_space<vmem>> -> memref<1x80x128xf32, #tpu.memory_space<vmem>>
        %dma_wait3A_103 = tpu.memref_squeeze %dma_wait3A_102 : memref<1x80x128xf32, #tpu.memory_space<vmem>> -> memref<80x128xf32, #tpu.memory_space<vmem>>
        %dma_wait3A_104 = arith.constant 0 : i32
        %dma_wait3A_105 = tpu.memref_slice %arg7[%rem3A_59, %dma_wait3A_104] : memref<2x80xi32, #tpu.memory_space<vmem>> -> memref<1x80xi32, #tpu.memory_space<vmem>>
        %dma_wait3A_106 = tpu.memref_squeeze %dma_wait3A_105 : memref<1x80xi32, #tpu.memory_space<vmem>> -> memref<80xi32, #tpu.memory_space<vmem>>
        %dma_wait3A_107 = arith.constant 0 : i32
        %dma_wait3A_108 = arith.constant 0 : i32
        %dma_wait3A_109 = tpu.memref_slice %arg9[%dma_wait3A_107, %dma_wait3A_108] : memref<10240x128xf32, #tpu.memory_space<vmem_shared>> -> memref<10240x128xf32, #tpu.memory_space<vmem_shared>>
        tpu.wait_indirect_dma semaphore(%run_scoped3A_89 : memref<!tpu.dma_semaphore, #tpu.memory_space<semaphore_mem>>) src(%dma_wait3A_103 : memref<80x128xf32, #tpu.memory_space<vmem>>) dst(%dma_wait3A_109 : memref<10240x128xf32, #tpu.memory_space<vmem_shared>>)
        tpu.yield
      }) : () -> ()
      %add3A_82 = arith.constant 2 : i32
      %add3A_83 = arith.addi %scan3A_58, %add3A_82 : i32
      %lt3A_84 = arith.constant 125 : i32
      %lt3A_85 = arith.cmpi slt, %add3A_83, %lt3A_84 : i32
      %convert_element_type3A_86 = arith.extui %lt3A_85 : i1 to i32
      %cond3A_87 = arith.constant 0 : i32
      %cond3A_88 = arith.cmpi ne, %convert_element_type3A_86, %cond3A_87 : i32
      scf.if %cond3A_88 {
        %add3A_89 = arith.constant 2 : i32
        %add3A_90 = arith.addi %scan3A_58, %add3A_89 : i32
        %dma_start3A_91 = arith.constant 0 : i32
        %dma_start3A_92 = arith.constant 0 : i32
        %dma_start3A_93 = tpu.memref_slice %arg6[%rem3A_59, %dma_start3A_92] : memref<2x80xi32, #tpu.memory_space<vmem>> -> memref<1x80xi32, #tpu.memory_space<vmem>>
        %dma_start3A_94 = tpu.memref_squeeze %dma_start3A_93 : memref<1x80xi32, #tpu.memory_space<vmem>> -> memref<80xi32, #tpu.memory_space<vmem>>
        %dma_start3A_95 = arith.constant 0 : i32
        %dma_start3A_96 = tpu.memref_slice %arg2[%dma_start3A_91, %add3A, %add3A_90, %dma_start3A_95] : memref<2x32x125x80xi32, #tpu.memory_space<hbm>> -> memref<1x1x1x80xi32, #tpu.memory_space<hbm>>
        %dma_start3A_97 = tpu.memref_squeeze %dma_start3A_96 : memref<1x1x1x80xi32, #tpu.memory_space<hbm>> -> memref<80xi32, #tpu.memory_space<hbm>>
        %dma_start3A_98 = arith.constant 0 : i32
        %dma_start3A_99 = tpu.memref_slice %arg6[%rem3A_59, %dma_start3A_98] : memref<2x80xi32, #tpu.memory_space<vmem>> -> memref<1x80xi32, #tpu.memory_space<vmem>>
        %dma_start3A_100 = tpu.memref_squeeze %dma_start3A_99 : memref<1x80xi32, #tpu.memory_space<vmem>> -> memref<80xi32, #tpu.memory_space<vmem>>
        %dma_start3A_101 = arith.constant 0 : i32
        %dma_start3A_102 = tpu.memref_slice %arg2[%dma_start3A_91, %add3A, %add3A_90, %dma_start3A_101] : memref<2x32x125x80xi32, #tpu.memory_space<hbm>> -> memref<1x1x1x80xi32, #tpu.memory_space<hbm>>
        %dma_start3A_103 = tpu.memref_squeeze %dma_start3A_102 : memref<1x1x1x80xi32, #tpu.memory_space<hbm>> -> memref<80xi32, #tpu.memory_space<hbm>>
        tpu.enqueue_dma source(%dma_start3A_103 : memref<80xi32, #tpu.memory_space<hbm>>) target(%dma_start3A_100 : memref<80xi32, #tpu.memory_space<vmem>>) target_semaphore(%arg11 : memref<!tpu.dma_semaphore, #tpu.memory_space<semaphore_mem>>)
        %add3A_104 = arith.constant 2 : i32
        %add3A_105 = arith.addi %scan3A_58, %add3A_104 : i32
        %dma_start3A_106 = arith.constant 1 : i32
        %dma_start3A_107 = arith.constant 0 : i32
        %dma_start3A_108 = tpu.memref_slice %arg7[%rem3A_59, %dma_start3A_107] : memref<2x80xi32, #tpu.memory_space<vmem>> -> memref<1x80xi32, #tpu.memory_space<vmem>>
        %dma_start3A_109 = tpu.memref_squeeze %dma_start3A_108 : memref<1x80xi32, #tpu.memory_space<vmem>> -> memref<80xi32, #tpu.memory_space<vmem>>
        %dma_start3A_110 = arith.constant 0 : i32
        %dma_start3A_111 = tpu.memref_slice %arg2[%dma_start3A_106, %add3A, %add3A_105, %dma_start3A_110] : memref<2x32x125x80xi32, #tpu.memory_space<hbm>> -> memref<1x1x1x80xi32, #tpu.memory_space<hbm>>
        %dma_start3A_112 = tpu.memref_squeeze %dma_start3A_111 : memref<1x1x1x80xi32, #tpu.memory_space<hbm>> -> memref<80xi32, #tpu.memory_space<hbm>>
        %dma_start3A_113 = arith.constant 0 : i32
        %dma_start3A_114 = tpu.memref_slice %arg7[%rem3A_59, %dma_start3A_113] : memref<2x80xi32, #tpu.memory_space<vmem>> -> memref<1x80xi32, #tpu.memory_space<vmem>>
        %dma_start3A_115 = tpu.memref_squeeze %dma_start3A_114 : memref<1x80xi32, #tpu.memory_space<vmem>> -> memref<80xi32, #tpu.memory_space<vmem>>
        %dma_start3A_116 = arith.constant 0 : i32
        %dma_start3A_117 = tpu.memref_slice %arg2[%dma_start3A_106, %add3A, %add3A_105, %dma_start3A_116] : memref<2x32x125x80xi32, #tpu.memory_space<hbm>> -> memref<1x1x1x80xi32, #tpu.memory_space<hbm>>
        %dma_start3A_118 = tpu.memref_squeeze %dma_start3A_117 : memref<1x1x1x80xi32, #tpu.memory_space<hbm>> -> memref<80xi32, #tpu.memory_space<hbm>>
        tpu.enqueue_dma source(%dma_start3A_118 : memref<80xi32, #tpu.memory_space<hbm>>) target(%dma_start3A_115 : memref<80xi32, #tpu.memory_space<vmem>>) target_semaphore(%arg11 : memref<!tpu.dma_semaphore, #tpu.memory_space<semaphore_mem>>)
      } else {
      }
    }
    %scan3A_53 = arith.constant 125 : i32
    %barrier3A_54 = arith.constant 0 : index
    tpu.barrier barrier_id(%barrier3A_54)
    %mul3A_55 = arith.constant 10240 : i32
    %mul3A_56 = arith.muli %arg0, %mul3A_55 : i32
    %add3A_57 = arith.addi %mul3A_56, %mul3A_2 : i32
    "tpu.region"() ({
      %run_scoped3A_58 = tpu.sem_alloc : memref<!tpu.dma_semaphore, #tpu.memory_space<semaphore_mem>>
      %dma_start3A_59 = arith.constant 0 : i32
      %dma_start3A_60 = tpu.memref_slice %arg5[%add3A_57, %dma_start3A_59] : memref<20480x128xf32, #tpu.memory_space<hbm>> -> memref<640x128xf32, #tpu.memory_space<hbm>>
      %dma_start3A_61 = arith.constant 0 : i32
      %dma_start3A_62 = tpu.memref_slice %arg9[%mul3A_2, %dma_start3A_61] : memref<10240x128xf32, #tpu.memory_space<vmem_shared>> -> memref<640x128xf32, #tpu.memory_space<vmem_shared>>
      tpu.enqueue_dma source(%dma_start3A_62 : memref<640x128xf32, #tpu.memory_space<vmem_shared>>) target(%dma_start3A_60 : memref<640x128xf32, #tpu.memory_space<hbm>>) target_semaphore(%run_scoped3A_58 : memref<!tpu.dma_semaphore, #tpu.memory_space<semaphore_mem>>)
      %dma_wait3A = arith.constant 0 : i32
      %dma_wait3A_63 = tpu.memref_slice %arg5[%add3A_57, %dma_wait3A] : memref<20480x128xf32, #tpu.memory_space<hbm>> -> memref<640x128xf32, #tpu.memory_space<hbm>>
      %dma_wait3A_64 = arith.constant 0 : i32
      %dma_wait3A_65 = tpu.memref_slice %arg9[%mul3A_2, %dma_wait3A_64] : memref<10240x128xf32, #tpu.memory_space<vmem_shared>> -> memref<640x128xf32, #tpu.memory_space<vmem_shared>>
      tpu.wait_dma2 semaphore(%run_scoped3A_58 : memref<!tpu.dma_semaphore, #tpu.memory_space<semaphore_mem>>) src(%dma_wait3A_65 : memref<640x128xf32, #tpu.memory_space<vmem_shared>>) dst(%dma_wait3A_63 : memref<640x128xf32, #tpu.memory_space<hbm>>)
      tpu.yield
    }) : () -> ()
    return
  }
}

module attributes {stable_mosaic.version = 14 : i64} {
  func.func @_k0_body(%arg0: i32, %arg1: memref<1000x128xf32, #tpu.memory_space<vmem>>, %arg2: memref<128x128xf32, #tpu.memory_space<vmem>>, %arg3: memref<1000x128xf32, #tpu.memory_space<vmem>>) attributes {dimension_semantics = [#tpu.dimension_semantics<arbitrary>], iteration_bounds = array<i64: 10>, scalar_prefetch = 0 : i64, scratch_operands = 0 : i64, tpu.core_type = #tpu.core_type<tc>, window_params = [{transform_indices = @transform_0, window_bounds = array<i64: 1000, 128>}, {pipeline_mode = #tpu.pipeline_mode<synchronous>, transform_indices = @transform_1, window_bounds = array<i64: 128, 128>}, {transform_indices = @transform_2, window_bounds = array<i64: 1000, 128>}]} {
    %get3A = arith.constant 0 : index
    %get3A_0 = arith.constant 0 : index
    %get3A_1 = vector.load %arg1[%get3A, %get3A_0] : memref<1000x128xf32, #tpu.memory_space<vmem>>, vector<1000x128xf32>
    %get3A_2 = arith.constant 0 : index
    %get3A_3 = arith.constant 0 : index
    %get3A_4 = vector.load %arg2[%get3A_2, %get3A_3] : memref<128x128xf32, #tpu.memory_space<vmem>>, vector<128x128xf32>
    %dot_general3A = arith.constant dense<0.000000e+00> : vector<1000x128xf32>
    %dot_general3A_5 = tpu.matmul %get3A_1, %get3A_4, %dot_general3A {dimension_numbers = #tpu.dot_dimension_numbers<[1], [0], [0], [1], [0, 0, 1, 1], [], []>, transpose_lhs_hint = false} : vector<1000x128xf32>, vector<128x128xf32>, vector<1000x128xf32> -> vector<1000x128xf32>
    %swap3A = arith.constant 0 : index
    %swap3A_6 = arith.constant 0 : index
    %swap3A_7 = vector.load %arg3[%swap3A, %swap3A_6] : memref<1000x128xf32, #tpu.memory_space<vmem>>, vector<1000x128xf32>
    tpu.vector_store %arg3[%swap3A, %swap3A_6], %dot_general3A_5 {strides = array<i32>} : memref<1000x128xf32, #tpu.memory_space<vmem>>, vector<1000x128xf32>,
    return
  }
  func.func @transform_0(%arg0: i32) -> (i32, i32) {
    %c0_i32 = arith.constant 0 : i32
    %c0_i32_0 = arith.constant 0 : i32
    return %arg0, %c0_i32 : i32, i32
  }
  func.func @transform_1(%arg0: i32) -> (i32, i32) {
    %c0_i32 = arith.constant 0 : i32
    %c0_i32_0 = arith.constant 0 : i32
    %c0_i32_1 = arith.constant 0 : i32
    return %c0_i32, %c0_i32_0 : i32, i32
  }
  func.func @transform_2(%arg0: i32) -> (i32, i32) {
    %c0_i32 = arith.constant 0 : i32
    %c0_i32_0 = arith.constant 0 : i32
    return %arg0, %c0_i32 : i32, i32
  }
}

module attributes {stable_mosaic.version = 14 : i64} {
  func.func @_k1_body(%arg0: i32, %arg1: memref<1000x128xf32, #tpu.memory_space<vmem>>, %arg2: memref<2x1000x128xf32, #tpu.memory_space<vmem>>, %arg3: memref<1000x128xf32, #tpu.memory_space<vmem>>, %arg4: memref<1000x16xf32, #tpu.memory_space<vmem>>) attributes {dimension_semantics = [#tpu.dimension_semantics<arbitrary>], iteration_bounds = array<i64: 10>, scalar_prefetch = 0 : i64, scratch_operands = 0 : i64, tpu.core_type = #tpu.core_type<tc>, window_params = [{transform_indices = @transform_0, window_bounds = array<i64: 1000, 128>}, {transform_indices = @transform_1, window_bounds = array<i64: 2, 1000, 128>}, {transform_indices = @transform_2, window_bounds = array<i64: 1000, 128>}, {transform_indices = @transform_3, window_bounds = array<i64: 1000, 16>}]} {
    %get3A = arith.constant 0 : index
    %get3A_0 = arith.constant 0 : index
    %get3A_1 = arith.constant 0 : index
    %get3A_2 = vector.load %arg2[%get3A, %get3A_0, %get3A_1] : memref<2x1000x128xf32, #tpu.memory_space<vmem>>, vector<1x1000x16xf32>
    %get3A_3 = vector.shape_cast %get3A_2 : vector<1x1000x16xf32> to vector<1000x16xf32>
    %get3A_4 = arith.constant 1 : index
    %get3A_5 = arith.constant 0 : index
    %get3A_6 = arith.constant 0 : index
    %get3A_7 = vector.load %arg2[%get3A_4, %get3A_5, %get3A_6] : memref<2x1000x128xf32, #tpu.memory_space<vmem>>, vector<1x1000x16xf32>
    %get3A_8 = vector.shape_cast %get3A_7 : vector<1x1000x16xf32> to vector<1000x16xf32>
    %add3A = arith.addf %get3A_3, %get3A_8 : vector<1000x16xf32>
    %add3A_9 = arith.constant 1.000000e+00 : f32
    %add3A_10 = vector.broadcast %add3A_9 : f32 to vector<1000x16xf32>
    %add3A_11 = arith.addf %add3A, %add3A_10 : vector<1000x16xf32>
    %rsqrt3A = math.rsqrt %add3A_11 : vector<1000x16xf32>
    %swap3A = arith.constant 0 : index
    %swap3A_12 = arith.constant 0 : index
    %swap3A_13 = vector.load %arg4[%swap3A, %swap3A_12] : memref<1000x16xf32, #tpu.memory_space<vmem>>, vector<1000x16xf32>
    tpu.vector_store %arg4[%swap3A, %swap3A_12], %rsqrt3A {strides = array<i32>} : memref<1000x16xf32, #tpu.memory_space<vmem>>, vector<1000x16xf32>,
    %get3A_14 = arith.constant 0 : index
    %get3A_15 = arith.constant 0 : index
    %get3A_16 = vector.load %arg1[%get3A_14, %get3A_15] : memref<1000x128xf32, #tpu.memory_space<vmem>>, vector<1000x128xf32>
    %slice3A = vector.extract_strided_slice %rsqrt3A {offsets = [0, 0], sizes = [1000, 1], strides = [1, 1]} : vector<1000x16xf32> to vector<1000x1xf32>
    %mul3A = vector.broadcast %slice3A : vector<1000x1xf32> to vector<1000x128xf32>
    %mul3A_17 = arith.mulf %get3A_16, %mul3A : vector<1000x128xf32>
    %swap3A_18 = arith.constant 0 : index
    %swap3A_19 = arith.constant 0 : index
    %swap3A_20 = vector.load %arg3[%swap3A_18, %swap3A_19] : memref<1000x128xf32, #tpu.memory_space<vmem>>, vector<1000x128xf32>
    tpu.vector_store %arg3[%swap3A_18, %swap3A_19], %mul3A_17 {strides = array<i32>} : memref<1000x128xf32, #tpu.memory_space<vmem>>, vector<1000x128xf32>,
    return
  }
  func.func @transform_0(%arg0: i32) -> (i32, i32) {
    %c0_i32 = arith.constant 0 : i32
    %c0_i32_0 = arith.constant 0 : i32
    return %arg0, %c0_i32 : i32, i32
  }
  func.func @transform_1(%arg0: i32) -> (i32, i32, i32) {
    %c0_i32 = arith.constant 0 : i32
    %c0_i32_0 = arith.constant 0 : i32
    %c0_i32_1 = arith.constant 0 : i32
    return %c0_i32, %arg0, %c0_i32_0 : i32, i32, i32
  }
  func.func @transform_2(%arg0: i32) -> (i32, i32) {
    %c0_i32 = arith.constant 0 : i32
    %c0_i32_0 = arith.constant 0 : i32
    return %arg0, %c0_i32 : i32, i32
  }
  func.func @transform_3(%arg0: i32) -> (i32, i32) {
    %c0_i32 = arith.constant 0 : i32
    %c0_i32_0 = arith.constant 0 : i32
    return %arg0, %c0_i32 : i32, i32
  }
}

module attributes {stable_mosaic.version = 14 : i64} {
  func.func @_k2_body(%arg0: i32, %arg1: memref<2x1000x128xf32, #tpu.memory_space<vmem>>, %arg2: memref<1000x128xf32, #tpu.memory_space<vmem>>, %arg3: memref<1000x128xf32, #tpu.memory_space<vmem>>, %arg4: memref<1000x16xf32, #tpu.memory_space<vmem>>, %arg5: memref<1x128xf32, #tpu.memory_space<vmem>>, %arg6: memref<1x128xf32, #tpu.memory_space<vmem>>, %arg7: memref<1x128xf32, #tpu.memory_space<vmem>>, %arg8: memref<128x64xf32, #tpu.memory_space<vmem>>, %arg9: memref<128x64xf32, #tpu.memory_space<vmem>>, %arg10: memref<1x64xf32, #tpu.memory_space<vmem>>, %arg11: memref<1000x128xf32, #tpu.memory_space<vmem>>, %arg12: memref<1000x64xf32, #tpu.memory_space<vmem>>) attributes {dimension_semantics = [#tpu.dimension_semantics<arbitrary>], iteration_bounds = array<i64: 10>, scalar_prefetch = 0 : i64, scratch_operands = 0 : i64, tpu.core_type = #tpu.core_type<tc>, window_params = [{transform_indices = @transform_0, window_bounds = array<i64: 2, 1000, 128>}, {transform_indices = @transform_1, window_bounds = array<i64: 1000, 128>}, {transform_indices = @transform_2, window_bounds = array<i64: 1000, 128>}, {transform_indices = @transform_3, window_bounds = array<i64: 1000, 16>}, {pipeline_mode = #tpu.pipeline_mode<synchronous>, transform_indices = @transform_4, window_bounds = array<i64: 1, 128>}, {pipeline_mode = #tpu.pipeline_mode<synchronous>, transform_indices = @transform_5, window_bounds = array<i64: 1, 128>}, {pipeline_mode = #tpu.pipeline_mode<synchronous>, transform_indices = @transform_6, window_bounds = array<i64: 1, 128>}, {pipeline_mode = #tpu.pipeline_mode<synchronous>, transform_indices = @transform_7, window_bounds = array<i64: 128, 64>}, {pipeline_mode = #tpu.pipeline_mode<synchronous>, transform_indices = @transform_8, window_bounds = array<i64: 128, 64>}, {pipeline_mode = #tpu.pipeline_mode<synchronous>, transform_indices = @transform_9, window_bounds = array<i64: 1, 64>}, {transform_indices = @transform_10, window_bounds = array<i64: 1000, 128>}, {transform_indices = @transform_11, window_bounds = array<i64: 1000, 64>}]} {
    %get3A = arith.constant 0 : index
    %get3A_0 = arith.constant 0 : index
    %get3A_1 = vector.load %arg4[%get3A, %get3A_0] : memref<1000x16xf32, #tpu.memory_space<vmem>>, vector<1000x16xf32>
    %slice3A = vector.extract_strided_slice %get3A_1 {offsets = [0, 0], sizes = [1000, 1], strides = [1, 1]} : vector<1000x16xf32> to vector<1000x1xf32>
    %get3A_2 = arith.constant 0 : index
    %get3A_3 = arith.constant 0 : index
    %get3A_4 = arith.constant 0 : index
    %get3A_5 = vector.load %arg1[%get3A_2, %get3A_3, %get3A_4] : memref<2x1000x128xf32, #tpu.memory_space<vmem>>, vector<1x1000x128xf32>
    %get3A_6 = vector.shape_cast %get3A_5 : vector<1x1000x128xf32> to vector<1000x128xf32>
    %get3A_7 = arith.constant 1 : index
    %get3A_8 = arith.constant 0 : index
    %get3A_9 = arith.constant 0 : index
    %get3A_10 = vector.load %arg1[%get3A_7, %get3A_8, %get3A_9] : memref<2x1000x128xf32, #tpu.memory_space<vmem>>, vector<1x1000x128xf32>
    %get3A_11 = vector.shape_cast %get3A_10 : vector<1x1000x128xf32> to vector<1000x128xf32>
    %add3A = arith.addf %get3A_6, %get3A_11 : vector<1000x128xf32>
    %get3A_12 = arith.constant 0 : index
    %get3A_13 = arith.constant 0 : index
    %get3A_14 = vector.load %arg2[%get3A_12, %get3A_13] : memref<1000x128xf32, #tpu.memory_space<vmem>>, vector<1000x128xf32>
    %add3A_15 = arith.addf %add3A, %get3A_14 : vector<1000x128xf32>
    %mul3A = vector.broadcast %slice3A : vector<1000x1xf32> to vector<1000x128xf32>
    %mul3A_16 = arith.mulf %add3A_15, %mul3A : vector<1000x128xf32>
    %get3A_17 = arith.constant 0 : index
    %get3A_18 = arith.constant 0 : index
    %get3A_19 = vector.load %arg5[%get3A_17, %get3A_18] : memref<1x128xf32, #tpu.memory_space<vmem>>, vector<1x128xf32>
    %add3A_20 = vector.broadcast %get3A_19 : vector<1x128xf32> to vector<1000x128xf32>
    %add3A_21 = arith.addf %mul3A_16, %add3A_20 : vector<1000x128xf32>
    %get3A_22 = arith.constant 0 : index
    %get3A_23 = arith.constant 0 : index
    %get3A_24 = vector.load %arg6[%get3A_22, %get3A_23] : memref<1x128xf32, #tpu.memory_space<vmem>>, vector<1x128xf32>
    %mul3A_25 = arith.constant 0.999994993 : f32
    %mul3A_26 = vector.broadcast %mul3A_25 : f32 to vector<1x128xf32>
    %mul3A_27 = arith.mulf %get3A_24, %mul3A_26 : vector<1x128xf32>
    %mul3A_28 = vector.broadcast %mul3A_27 : vector<1x128xf32> to vector<1000x128xf32>
    %mul3A_29 = arith.mulf %add3A_21, %mul3A_28 : vector<1000x128xf32>
    %get3A_30 = arith.constant 0 : index
    %get3A_31 = arith.constant 0 : index
    %get3A_32 = vector.load %arg7[%get3A_30, %get3A_31] : memref<1x128xf32, #tpu.memory_space<vmem>>, vector<1x128xf32>
    %add3A_33 = vector.broadcast %get3A_32 : vector<1x128xf32> to vector<1000x128xf32>
    %add3A_34 = arith.addf %mul3A_29, %add3A_33 : vector<1000x128xf32>
    %max3A = arith.constant 0.000000e+00 : f32
    %max3A_35 = vector.broadcast %max3A : f32 to vector<1000x128xf32>
    %max3A_36 = arith.maximumf %add3A_34, %max3A_35 : vector<1000x128xf32>
    %get3A_37 = arith.constant 0 : index
    %get3A_38 = arith.constant 0 : index
    %get3A_39 = vector.load %arg3[%get3A_37, %get3A_38] : memref<1000x128xf32, #tpu.memory_space<vmem>>, vector<1000x128xf32>
    %add3A_40 = arith.addf %max3A_36, %get3A_39 : vector<1000x128xf32>
    %max3A_41 = arith.constant 0.000000e+00 : f32
    %max3A_42 = vector.broadcast %max3A_41 : f32 to vector<1000x128xf32>
    %max3A_43 = arith.maximumf %add3A_40, %max3A_42 : vector<1000x128xf32>
    %get3A_44 = arith.constant 0 : index
    %get3A_45 = arith.constant 0 : index
    %get3A_46 = vector.load %arg8[%get3A_44, %get3A_45] : memref<128x64xf32, #tpu.memory_space<vmem>>, vector<128x64xf32>
    %dot_general3A = arith.constant dense<0.000000e+00> : vector<1000x64xf32>
    %dot_general3A_47 = tpu.matmul %max3A_43, %get3A_46, %dot_general3A {dimension_numbers = #tpu.dot_dimension_numbers<[1], [0], [0], [1], [0, 0, 1, 1], [], []>, transpose_lhs_hint = false} : vector<1000x128xf32>, vector<128x64xf32>, vector<1000x64xf32> -> vector<1000x64xf32>
    %mul3A_48 = vector.broadcast %slice3A : vector<1000x1xf32> to vector<1000x64xf32>
    %mul3A_49 = arith.mulf %dot_general3A_47, %mul3A_48 : vector<1000x64xf32>
    %broadcast_in_dim3A = arith.constant 0.000000e+00 : f32
    %broadcast_in_dim3A_50 = vector.broadcast %broadcast_in_dim3A : f32 to vector<1000x64xf32>
    %concatenate3A = tpu.concatenate %mul3A_49, %broadcast_in_dim3A_50 in 1 : vector<1000x64xf32>, vector<1000x64xf32> -> vector<1000x128xf32>
    %swap3A = arith.constant 0 : index
    %swap3A_51 = arith.constant 0 : index
    %swap3A_52 = vector.load %arg11[%swap3A, %swap3A_51] : memref<1000x128xf32, #tpu.memory_space<vmem>>, vector<1000x128xf32>
    tpu.vector_store %arg11[%swap3A, %swap3A_51], %concatenate3A {strides = array<i32>} : memref<1000x128xf32, #tpu.memory_space<vmem>>, vector<1000x128xf32>,
    %get3A_53 = arith.constant 0 : index
    %get3A_54 = arith.constant 0 : index
    %get3A_55 = vector.load %arg9[%get3A_53, %get3A_54] : memref<128x64xf32, #tpu.memory_space<vmem>>, vector<128x64xf32>
    %dot_general3A_56 = arith.constant dense<0.000000e+00> : vector<1000x64xf32>
    %dot_general3A_57 = tpu.matmul %max3A_43, %get3A_55, %dot_general3A_56 {dimension_numbers = #tpu.dot_dimension_numbers<[1], [0], [0], [1], [0, 0, 1, 1], [], []>, transpose_lhs_hint = false} : vector<1000x128xf32>, vector<128x64xf32>, vector<1000x64xf32> -> vector<1000x64xf32>
    %get3A_58 = arith.constant 0 : index
    %get3A_59 = arith.constant 0 : index
    %get3A_60 = vector.load %arg10[%get3A_58, %get3A_59] : memref<1x64xf32, #tpu.memory_space<vmem>>, vector<1x64xf32>
    %add3A_61 = vector.broadcast %get3A_60 : vector<1x64xf32> to vector<1000x64xf32>
    %add3A_62 = arith.addf %dot_general3A_57, %add3A_61 : vector<1000x64xf32>
    %swap3A_63 = arith.constant 0 : index
    %swap3A_64 = arith.constant 0 : index
    %swap3A_65 = vector.load %arg12[%swap3A_63, %swap3A_64] : memref<1000x64xf32, #tpu.memory_space<vmem>>, vector<1000x64xf32>
    tpu.vector_store %arg12[%swap3A_63, %swap3A_64], %add3A_62 {strides = array<i32>} : memref<1000x64xf32, #tpu.memory_space<vmem>>, vector<1000x64xf32>,
    return
  }
  func.func @transform_0(%arg0: i32) -> (i32, i32, i32) {
    %c0_i32 = arith.constant 0 : i32
    %c0_i32_0 = arith.constant 0 : i32
    %c0_i32_1 = arith.constant 0 : i32
    return %c0_i32, %arg0, %c0_i32_0 : i32, i32, i32
  }
  func.func @transform_1(%arg0: i32) -> (i32, i32) {
    %c0_i32 = arith.constant 0 : i32
    %c0_i32_0 = arith.constant 0 : i32
    return %arg0, %c0_i32 : i32, i32
  }
  func.func @transform_2(%arg0: i32) -> (i32, i32) {
    %c0_i32 = arith.constant 0 : i32
    %c0_i32_0 = arith.constant 0 : i32
    return %arg0, %c0_i32 : i32, i32
  }
  func.func @transform_3(%arg0: i32) -> (i32, i32) {
    %c0_i32 = arith.constant 0 : i32
    %c0_i32_0 = arith.constant 0 : i32
    return %arg0, %c0_i32 : i32, i32
  }
  func.func @transform_4(%arg0: i32) -> (i32, i32) {
    %c0_i32 = arith.constant 0 : i32
    %c0_i32_0 = arith.constant 0 : i32
    %c0_i32_1 = arith.constant 0 : i32
    return %c0_i32, %c0_i32_0 : i32, i32
  }
  func.func @transform_5(%arg0: i32) -> (i32, i32) {
    %c0_i32 = arith.constant 0 : i32
    %c0_i32_0 = arith.constant 0 : i32
    %c0_i32_1 = arith.constant 0 : i32
    return %c0_i32, %c0_i32_0 : i32, i32
  }
  func.func @transform_6(%arg0: i32) -> (i32, i32) {
    %c0_i32 = arith.constant 0 : i32
    %c0_i32_0 = arith.constant 0 : i32
    %c0_i32_1 = arith.constant 0 : i32
    return %c0_i32, %c0_i32_0 : i32, i32
  }
  func.func @transform_7(%arg0: i32) -> (i32, i32) {
    %c0_i32 = arith.constant 0 : i32
    %c0_i32_0 = arith.constant 0 : i32
    %c0_i32_1 = arith.constant 0 : i32
    return %c0_i32, %c0_i32_0 : i32, i32
  }
  func.func @transform_8(%arg0: i32) -> (i32, i32) {
    %c0_i32 = arith.constant 0 : i32
    %c0_i32_0 = arith.constant 0 : i32
    %c0_i32_1 = arith.constant 0 : i32
    return %c0_i32, %c0_i32_0 : i32, i32
  }
  func.func @transform_9(%arg0: i32) -> (i32, i32) {
    %c0_i32 = arith.constant 0 : i32
    %c0_i32_0 = arith.constant 0 : i32
    %c0_i32_1 = arith.constant 0 : i32
    return %c0_i32, %c0_i32_0 : i32, i32
  }
  func.func @transform_10(%arg0: i32) -> (i32, i32) {
    %c0_i32 = arith.constant 0 : i32
    %c0_i32_0 = arith.constant 0 : i32
    return %arg0, %c0_i32 : i32, i32
  }
  func.func @transform_11(%arg0: i32) -> (i32, i32) {
    %c0_i32 = arith.constant 0 : i32
    %c0_i32_0 = arith.constant 0 : i32
    return %arg0, %c0_i32 : i32, i32
  }
}

module attributes {stable_mosaic.version = 14 : i64} {
  func.func @_k3_body(%arg0: i32, %arg1: memref<2x1000x128xf32, #tpu.memory_space<vmem>>, %arg2: memref<1000x128xf32, #tpu.memory_space<vmem>>, %arg3: memref<1000x64xf32, #tpu.memory_space<vmem>>, %arg4: memref<1000x16xf32, #tpu.memory_space<vmem>>, %arg5: memref<1x64xf32, #tpu.memory_space<vmem>>, %arg6: memref<1x64xf32, #tpu.memory_space<vmem>>, %arg7: memref<1x64xf32, #tpu.memory_space<vmem>>, %arg8: memref<64x128xf32, #tpu.memory_space<vmem>>, %arg9: memref<1x128xf32, #tpu.memory_space<vmem>>, %arg10: memref<1x128xf32, #tpu.memory_space<vmem>>, %arg11: memref<1x128xf32, #tpu.memory_space<vmem>>, %arg12: memref<128x128xf32, #tpu.memory_space<vmem>>, %arg13: memref<1x128xf32, #tpu.memory_space<vmem>>, %arg14: memref<1000x64xf32, #tpu.memory_space<vmem>>, %arg15: memref<1000x128xf32, #tpu.memory_space<vmem>>, %arg16: memref<1x2x64xf32, #tpu.memory_space<vmem>>) attributes {dimension_semantics = [#tpu.dimension_semantics<arbitrary>], iteration_bounds = array<i64: 10>, scalar_prefetch = 0 : i64, scratch_operands = 0 : i64, tpu.core_type = #tpu.core_type<tc>, window_params = [{transform_indices = @transform_0, window_bounds = array<i64: 2, 1000, 128>}, {transform_indices = @transform_1, window_bounds = array<i64: 1000, 128>}, {transform_indices = @transform_2, window_bounds = array<i64: 1000, 64>}, {transform_indices = @transform_3, window_bounds = array<i64: 1000, 16>}, {pipeline_mode = #tpu.pipeline_mode<synchronous>, transform_indices = @transform_4, window_bounds = array<i64: 1, 64>}, {pipeline_mode = #tpu.pipeline_mode<synchronous>, transform_indices = @transform_5, window_bounds = array<i64: 1, 64>}, {pipeline_mode = #tpu.pipeline_mode<synchronous>, transform_indices = @transform_6, window_bounds = array<i64: 1, 64>}, {pipeline_mode = #tpu.pipeline_mode<synchronous>, transform_indices = @transform_7, window_bounds = array<i64: 64, 128>}, {pipeline_mode = #tpu.pipeline_mode<synchronous>, transform_indices = @transform_8, window_bounds = array<i64: 1, 128>}, {pipeline_mode = #tpu.pipeline_mode<synchronous>, transform_indices = @transform_9, window_bounds = array<i64: 1, 128>}, {pipeline_mode = #tpu.pipeline_mode<synchronous>, transform_indices = @transform_10, window_bounds = array<i64: 1, 128>}, {pipeline_mode = #tpu.pipeline_mode<synchronous>, transform_indices = @transform_11, window_bounds = array<i64: 128, 128>}, {pipeline_mode = #tpu.pipeline_mode<synchronous>, transform_indices = @transform_12, window_bounds = array<i64: 1, 128>}, {transform_indices = @transform_13, window_bounds = array<i64: 1000, 64>}, {transform_indices = @transform_14, window_bounds = array<i64: 1000, 128>}, {transform_indices = @transform_15, window_bounds = array<i64: 1, 2, 64>}]} {
    %get3A = arith.constant 0 : index
    %get3A_0 = arith.constant 0 : index
    %get3A_1 = vector.load %arg4[%get3A, %get3A_0] : memref<1000x16xf32, #tpu.memory_space<vmem>>, vector<1000x16xf32>
    %slice3A = vector.extract_strided_slice %get3A_1 {offsets = [0, 0], sizes = [1000, 1], strides = [1, 1]} : vector<1000x16xf32> to vector<1000x1xf32>
    %get3A_2 = arith.constant 0 : index
    %get3A_3 = arith.constant 0 : index
    %get3A_4 = arith.constant 0 : index
    %get3A_5 = vector.load %arg1[%get3A_2, %get3A_3, %get3A_4] : memref<2x1000x128xf32, #tpu.memory_space<vmem>>, vector<1x1000x64xf32>
    %get3A_6 = vector.shape_cast %get3A_5 : vector<1x1000x64xf32> to vector<1000x64xf32>
    %get3A_7 = arith.constant 1 : index
    %get3A_8 = arith.constant 0 : index
    %get3A_9 = arith.constant 0 : index
    %get3A_10 = vector.load %arg1[%get3A_7, %get3A_8, %get3A_9] : memref<2x1000x128xf32, #tpu.memory_space<vmem>>, vector<1x1000x64xf32>
    %get3A_11 = vector.shape_cast %get3A_10 : vector<1x1000x64xf32> to vector<1000x64xf32>
    %add3A = arith.addf %get3A_6, %get3A_11 : vector<1000x64xf32>
    %get3A_12 = arith.constant 0 : index
    %get3A_13 = arith.constant 0 : index
    %get3A_14 = vector.load %arg2[%get3A_12, %get3A_13] : memref<1000x128xf32, #tpu.memory_space<vmem>>, vector<1000x128xf32>
    %slice3A_15 = vector.extract_strided_slice %get3A_14 {offsets = [0, 0], sizes = [1000, 64], strides = [1, 1]} : vector<1000x128xf32> to vector<1000x64xf32>
    %add3A_16 = arith.addf %add3A, %slice3A_15 : vector<1000x64xf32>
    %mul3A = vector.broadcast %slice3A : vector<1000x1xf32> to vector<1000x64xf32>
    %mul3A_17 = arith.mulf %add3A_16, %mul3A : vector<1000x64xf32>
    %get3A_18 = arith.constant 0 : index
    %get3A_19 = arith.constant 0 : index
    %get3A_20 = vector.load %arg5[%get3A_18, %get3A_19] : memref<1x64xf32, #tpu.memory_space<vmem>>, vector<1x64xf32>
    %add3A_21 = vector.broadcast %get3A_20 : vector<1x64xf32> to vector<1000x64xf32>
    %add3A_22 = arith.addf %mul3A_17, %add3A_21 : vector<1000x64xf32>
    %get3A_23 = arith.constant 0 : index
    %get3A_24 = arith.constant 0 : index
    %get3A_25 = vector.load %arg6[%get3A_23, %get3A_24] : memref<1x64xf32, #tpu.memory_space<vmem>>, vector<1x64xf32>
    %mul3A_26 = arith.constant 0.999994993 : f32
    %mul3A_27 = vector.broadcast %mul3A_26 : f32 to vector<1x64xf32>
    %mul3A_28 = arith.mulf %get3A_25, %mul3A_27 : vector<1x64xf32>
    %mul3A_29 = vector.broadcast %mul3A_28 : vector<1x64xf32> to vector<1000x64xf32>
    %mul3A_30 = arith.mulf %add3A_22, %mul3A_29 : vector<1000x64xf32>
    %get3A_31 = arith.constant 0 : index
    %get3A_32 = arith.constant 0 : index
    %get3A_33 = vector.load %arg7[%get3A_31, %get3A_32] : memref<1x64xf32, #tpu.memory_space<vmem>>, vector<1x64xf32>
    %add3A_34 = vector.broadcast %get3A_33 : vector<1x64xf32> to vector<1000x64xf32>
    %add3A_35 = arith.addf %mul3A_30, %add3A_34 : vector<1000x64xf32>
    %max3A = arith.constant 0.000000e+00 : f32
    %max3A_36 = vector.broadcast %max3A : f32 to vector<1000x64xf32>
    %max3A_37 = arith.maximumf %add3A_35, %max3A_36 : vector<1000x64xf32>
    %get3A_38 = arith.constant 0 : index
    %get3A_39 = arith.constant 0 : index
    %get3A_40 = vector.load %arg3[%get3A_38, %get3A_39] : memref<1000x64xf32, #tpu.memory_space<vmem>>, vector<1000x64xf32>
    %add3A_41 = arith.addf %max3A_37, %get3A_40 : vector<1000x64xf32>
    %max3A_42 = arith.constant 0.000000e+00 : f32
    %max3A_43 = vector.broadcast %max3A_42 : f32 to vector<1000x64xf32>
    %max3A_44 = arith.maximumf %add3A_41, %max3A_43 : vector<1000x64xf32>
    %mul3A_45 = arith.mulf %max3A_44, %max3A_44 : vector<1000x64xf32>
    %reduce_sum3A = arith.constant dense<0.000000e+00> : vector<1000xf32>
    %reduce_sum3A_46 = vector.multi_reduction <add>, %mul3A_45, %reduce_sum3A [1] : vector<1000x64xf32> to vector<1000xf32>
    %broadcast_in_dim3A = vector.shape_cast %reduce_sum3A_46 : vector<1000xf32> to vector<1000x1xf32>
    %sqrt3A = math.sqrt %broadcast_in_dim3A : vector<1000x1xf32>
    %max3A_47 = arith.constant 9.99999996E-13 : f32
    %max3A_48 = vector.broadcast %max3A_47 : f32 to vector<1000x1xf32>
    %max3A_49 = arith.maximumf %sqrt3A, %max3A_48 : vector<1000x1xf32>
    %div3A = vector.broadcast %max3A_49 : vector<1000x1xf32> to vector<1000x64xf32>
    %div3A_50 = arith.divf %max3A_44, %div3A : vector<1000x64xf32>
    %swap3A = arith.constant 0 : index
    %swap3A_51 = arith.constant 0 : index
    %swap3A_52 = vector.load %arg14[%swap3A, %swap3A_51] : memref<1000x64xf32, #tpu.memory_space<vmem>>, vector<1000x64xf32>
    tpu.vector_store %arg14[%swap3A, %swap3A_51], %div3A_50 {strides = array<i32>} : memref<1000x64xf32, #tpu.memory_space<vmem>>, vector<1000x64xf32>,
    %get3A_53 = arith.constant 0 : index
    %get3A_54 = arith.constant 0 : index
    %get3A_55 = vector.load %arg8[%get3A_53, %get3A_54] : memref<64x128xf32, #tpu.memory_space<vmem>>, vector<64x128xf32>
    %dot_general3A = arith.constant dense<0.000000e+00> : vector<1000x128xf32>
    %dot_general3A_56 = tpu.matmul %div3A_50, %get3A_55, %dot_general3A {dimension_numbers = #tpu.dot_dimension_numbers<[1], [0], [0], [1], [0, 0, 1, 1], [], []>, transpose_lhs_hint = false} : vector<1000x64xf32>, vector<64x128xf32>, vector<1000x128xf32> -> vector<1000x128xf32>
    %get3A_57 = arith.constant 0 : index
    %get3A_58 = arith.constant 0 : index
    %get3A_59 = vector.load %arg9[%get3A_57, %get3A_58] : memref<1x128xf32, #tpu.memory_space<vmem>>, vector<1x128xf32>
    %add3A_60 = vector.broadcast %get3A_59 : vector<1x128xf32> to vector<1000x128xf32>
    %add3A_61 = arith.addf %dot_general3A_56, %add3A_60 : vector<1000x128xf32>
    %max3A_62 = arith.constant 0.000000e+00 : f32
    %max3A_63 = vector.broadcast %max3A_62 : f32 to vector<1000x128xf32>
    %max3A_64 = arith.maximumf %add3A_61, %max3A_63 : vector<1000x128xf32>
    %get3A_65 = arith.constant 0 : index
    %get3A_66 = arith.constant 0 : index
    %get3A_67 = vector.load %arg10[%get3A_65, %get3A_66] : memref<1x128xf32, #tpu.memory_space<vmem>>, vector<1x128xf32>
    %mul3A_68 = arith.constant 0.999994993 : f32
    %mul3A_69 = vector.broadcast %mul3A_68 : f32 to vector<1x128xf32>
    %mul3A_70 = arith.mulf %get3A_67, %mul3A_69 : vector<1x128xf32>
    %mul3A_71 = vector.broadcast %mul3A_70 : vector<1x128xf32> to vector<1000x128xf32>
    %mul3A_72 = arith.mulf %max3A_64, %mul3A_71 : vector<1000x128xf32>
    %get3A_73 = arith.constant 0 : index
    %get3A_74 = arith.constant 0 : index
    %get3A_75 = vector.load %arg11[%get3A_73, %get3A_74] : memref<1x128xf32, #tpu.memory_space<vmem>>, vector<1x128xf32>
    %add3A_76 = vector.broadcast %get3A_75 : vector<1x128xf32> to vector<1000x128xf32>
    %add3A_77 = arith.addf %mul3A_72, %add3A_76 : vector<1000x128xf32>
    %get3A_78 = arith.constant 0 : index
    %get3A_79 = arith.constant 0 : index
    %get3A_80 = vector.load %arg12[%get3A_78, %get3A_79] : memref<128x128xf32, #tpu.memory_space<vmem>>, vector<128x128xf32>
    %dot_general3A_81 = arith.constant dense<0.000000e+00> : vector<1000x128xf32>
    %dot_general3A_82 = tpu.matmul %add3A_77, %get3A_80, %dot_general3A_81 {dimension_numbers = #tpu.dot_dimension_numbers<[1], [0], [0], [1], [0, 0, 1, 1], [], []>, transpose_lhs_hint = false} : vector<1000x128xf32>, vector<128x128xf32>, vector<1000x128xf32> -> vector<1000x128xf32>
    %get3A_83 = arith.constant 0 : index
    %get3A_84 = arith.constant 0 : index
    %get3A_85 = vector.load %arg13[%get3A_83, %get3A_84] : memref<1x128xf32, #tpu.memory_space<vmem>>, vector<1x128xf32>
    %add3A_86 = vector.broadcast %get3A_85 : vector<1x128xf32> to vector<1000x128xf32>
    %add3A_87 = arith.addf %dot_general3A_82, %add3A_86 : vector<1000x128xf32>
    %swap3A_88 = arith.constant 0 : index
    %swap3A_89 = arith.constant 0 : index
    %swap3A_90 = vector.load %arg15[%swap3A_88, %swap3A_89] : memref<1000x128xf32, #tpu.memory_space<vmem>>, vector<1000x128xf32>
    tpu.vector_store %arg15[%swap3A_88, %swap3A_89], %add3A_87 {strides = array<i32>} : memref<1000x128xf32, #tpu.memory_space<vmem>>, vector<1000x128xf32>,
    %iota3A = tpu.iota {dimensions = array<i32: 0>} : vector<1000x1xi32>
    %lt3A = arith.constant 500 : i32
    %lt3A_91 = vector.broadcast %lt3A : i32 to vector<1000x1xi32>
    %lt3A_92 = arith.cmpi slt, %iota3A, %lt3A_91 : vector<1000x1xi32>
    %jit3A = arith.constant 0xFF800000 : f32
    %broadcast_in_dim3A_93 = vector.shape_cast %lt3A_92 : vector<1000x1xi1> to vector<1000x1xi1>
    %broadcast_in_dim3A_94 = vector.broadcast %broadcast_in_dim3A_93 : vector<1000x1xi1> to vector<1000x64xi1>
    %broadcast_in_dim3A_95 = vector.broadcast %jit3A : f32 to vector<1000x64xf32>
    %select_n3A = arith.select %broadcast_in_dim3A_94, %div3A_50, %broadcast_in_dim3A_95 : vector<1000x64xi1>, vector<1000x64xf32>
    %reduce_max3A = arith.constant dense<0xFF800000> : vector<64xf32>
    %reduce_max3A_96 = vector.multi_reduction <maximumf>, %select_n3A, %reduce_max3A [0] : vector<1000x64xf32> to vector<64xf32>
    %broadcast_in_dim3A_97 = vector.shape_cast %reduce_max3A_96 : vector<64xf32> to vector<1x64xf32>
    %ge3A = arith.constant 500 : i32
    %ge3A_98 = vector.broadcast %ge3A : i32 to vector<1000x1xi32>
    %ge3A_99 = arith.cmpi sge, %iota3A, %ge3A_98 : vector<1000x1xi32>
    %jit3A_100 = arith.constant 0xFF800000 : f32
    %broadcast_in_dim3A_101 = vector.shape_cast %ge3A_99 : vector<1000x1xi1> to vector<1000x1xi1>
    %broadcast_in_dim3A_102 = vector.broadcast %broadcast_in_dim3A_101 : vector<1000x1xi1> to vector<1000x64xi1>
    %broadcast_in_dim3A_103 = vector.broadcast %jit3A_100 : f32 to vector<1000x64xf32>
    %select_n3A_104 = arith.select %broadcast_in_dim3A_102, %div3A_50, %broadcast_in_dim3A_103 : vector<1000x64xi1>, vector<1000x64xf32>
    %reduce_max3A_105 = arith.constant dense<0xFF800000> : vector<64xf32>
    %reduce_max3A_106 = vector.multi_reduction <maximumf>, %select_n3A_104, %reduce_max3A_105 [0] : vector<1000x64xf32> to vector<64xf32>
    %broadcast_in_dim3A_107 = vector.shape_cast %reduce_max3A_106 : vector<64xf32> to vector<1x64xf32>
    %concatenate3A = tpu.concatenate %broadcast_in_dim3A_97, %broadcast_in_dim3A_107 in 0 : vector<1x64xf32>, vector<1x64xf32> -> vector<2x64xf32>
    %swap3A_108 = arith.constant 0 : index
    %swap3A_109 = arith.constant 0 : index
    %swap3A_110 = arith.constant 0 : index
    %swap3A_111 = vector.load %arg16[%swap3A_108, %swap3A_109, %swap3A_110] : memref<1x2x64xf32, #tpu.memory_space<vmem>>, vector<1x2x64xf32>
    %swap3A_112 = vector.shape_cast %swap3A_111 : vector<1x2x64xf32> to vector<2x64xf32>
    %swap3A_113 = vector.shape_cast %concatenate3A : vector<2x64xf32> to vector<1x2x64xf32>
    tpu.vector_store %arg16[%swap3A_108, %swap3A_109, %swap3A_110], %swap3A_113 {strides = array<i32>} : memref<1x2x64xf32, #tpu.memory_space<vmem>>, vector<1x2x64xf32>,
    return
  }
  func.func @transform_0(%arg0: i32) -> (i32, i32, i32) {
    %c0_i32 = arith.constant 0 : i32
    %c0_i32_0 = arith.constant 0 : i32
    %c0_i32_1 = arith.constant 0 : i32
    return %c0_i32, %arg0, %c0_i32_0 : i32, i32, i32
  }
  func.func @transform_1(%arg0: i32) -> (i32, i32) {
    %c0_i32 = arith.constant 0 : i32
    %c0_i32_0 = arith.constant 0 : i32
    return %arg0, %c0_i32 : i32, i32
  }
  func.func @transform_2(%arg0: i32) -> (i32, i32) {
    %c0_i32 = arith.constant 0 : i32
    %c0_i32_0 = arith.constant 0 : i32
    return %arg0, %c0_i32 : i32, i32
  }
  func.func @transform_3(%arg0: i32) -> (i32, i32) {
    %c0_i32 = arith.constant 0 : i32
    %c0_i32_0 = arith.constant 0 : i32
    return %arg0, %c0_i32 : i32, i32
  }
  func.func @transform_4(%arg0: i32) -> (i32, i32) {
    %c0_i32 = arith.constant 0 : i32
    %c0_i32_0 = arith.constant 0 : i32
    %c0_i32_1 = arith.constant 0 : i32
    return %c0_i32, %c0_i32_0 : i32, i32
  }
  func.func @transform_5(%arg0: i32) -> (i32, i32) {
    %c0_i32 = arith.constant 0 : i32
    %c0_i32_0 = arith.constant 0 : i32
    %c0_i32_1 = arith.constant 0 : i32
    return %c0_i32, %c0_i32_0 : i32, i32
  }
  func.func @transform_6(%arg0: i32) -> (i32, i32) {
    %c0_i32 = arith.constant 0 : i32
    %c0_i32_0 = arith.constant 0 : i32
    %c0_i32_1 = arith.constant 0 : i32
    return %c0_i32, %c0_i32_0 : i32, i32
  }
  func.func @transform_7(%arg0: i32) -> (i32, i32) {
    %c0_i32 = arith.constant 0 : i32
    %c0_i32_0 = arith.constant 0 : i32
    %c0_i32_1 = arith.constant 0 : i32
    return %c0_i32, %c0_i32_0 : i32, i32
  }
  func.func @transform_8(%arg0: i32) -> (i32, i32) {
    %c0_i32 = arith.constant 0 : i32
    %c0_i32_0 = arith.constant 0 : i32
    %c0_i32_1 = arith.constant 0 : i32
    return %c0_i32, %c0_i32_0 : i32, i32
  }
  func.func @transform_9(%arg0: i32) -> (i32, i32) {
    %c0_i32 = arith.constant 0 : i32
    %c0_i32_0 = arith.constant 0 : i32
    %c0_i32_1 = arith.constant 0 : i32
    return %c0_i32, %c0_i32_0 : i32, i32
  }
  func.func @transform_10(%arg0: i32) -> (i32, i32) {
    %c0_i32 = arith.constant 0 : i32
    %c0_i32_0 = arith.constant 0 : i32
    %c0_i32_1 = arith.constant 0 : i32
    return %c0_i32, %c0_i32_0 : i32, i32
  }
  func.func @transform_11(%arg0: i32) -> (i32, i32) {
    %c0_i32 = arith.constant 0 : i32
    %c0_i32_0 = arith.constant 0 : i32
    %c0_i32_1 = arith.constant 0 : i32
    return %c0_i32, %c0_i32_0 : i32, i32
  }
  func.func @transform_12(%arg0: i32) -> (i32, i32) {
    %c0_i32 = arith.constant 0 : i32
    %c0_i32_0 = arith.constant 0 : i32
    %c0_i32_1 = arith.constant 0 : i32
    return %c0_i32, %c0_i32_0 : i32, i32
  }
  func.func @transform_13(%arg0: i32) -> (i32, i32) {
    %c0_i32 = arith.constant 0 : i32
    %c0_i32_0 = arith.constant 0 : i32
    return %arg0, %c0_i32 : i32, i32
  }
  func.func @transform_14(%arg0: i32) -> (i32, i32) {
    %c0_i32 = arith.constant 0 : i32
    %c0_i32_0 = arith.constant 0 : i32
    return %arg0, %c0_i32 : i32, i32
  }
  func.func @transform_15(%arg0: i32) -> (i32, i32, i32) {
    %c0_i32 = arith.constant 0 : i32
    %c0_i32_0 = arith.constant 0 : i32
    %c0_i32_1 = arith.constant 0 : i32
    return %arg0, %c0_i32, %c0_i32_0 : i32, i32, i32
  }
}

module attributes {stable_mosaic.version = 14 : i64} {
  func.func @_k4_body(%arg0: i32, %arg1: memref<1x512x64xf32, #tpu.memory_space<vmem>>, %arg2: memref<64x64xf32, #tpu.memory_space<vmem>>, %arg3: memref<20x64xf32, #tpu.memory_space<vmem>>, %arg4: memref<64x64xf32, #tpu.memory_space<vmem>>, %arg5: memref<1x64xf32, #tpu.memory_space<vmem>>, %arg6: memref<64x64xf32, #tpu.memory_space<vmem>>, %arg7: memref<1x64xf32, #tpu.memory_space<vmem>>, %arg8: memref<1x512x512xf32, #tpu.memory_space<vmem>>, %arg9: memref<20x64xf32, #tpu.memory_space<vmem>>) attributes {dimension_semantics = [#tpu.dimension_semantics<arbitrary>], iteration_bounds = array<i64: 20>, scalar_prefetch = 0 : i64, scratch_operands = 0 : i64, tpu.core_type = #tpu.core_type<tc>, window_params = [{transform_indices = @transform_0, window_bounds = array<i64: 1, 512, 64>}, {pipeline_mode = #tpu.pipeline_mode<synchronous>, transform_indices = @transform_1, window_bounds = array<i64: 64, 64>}, {pipeline_mode = #tpu.pipeline_mode<synchronous>, transform_indices = @transform_2, window_bounds = array<i64: 20, 64>}, {pipeline_mode = #tpu.pipeline_mode<synchronous>, transform_indices = @transform_3, window_bounds = array<i64: 64, 64>}, {pipeline_mode = #tpu.pipeline_mode<synchronous>, transform_indices = @transform_4, window_bounds = array<i64: 1, 64>}, {pipeline_mode = #tpu.pipeline_mode<synchronous>, transform_indices = @transform_5, window_bounds = array<i64: 64, 64>}, {pipeline_mode = #tpu.pipeline_mode<synchronous>, transform_indices = @transform_6, window_bounds = array<i64: 1, 64>}, {transform_indices = @transform_7, window_bounds = array<i64: 1, 512, 512>}, {pipeline_mode = #tpu.pipeline_mode<synchronous>, transform_indices = @transform_8, window_bounds = array<i64: 20, 64>}]} {
    %get3A = arith.constant 0 : index
    %get3A_0 = arith.constant 0 : index
    %get3A_1 = arith.constant 0 : index
    %get3A_2 = vector.load %arg1[%get3A, %get3A_0, %get3A_1] : memref<1x512x64xf32, #tpu.memory_space<vmem>>, vector<1x512x64xf32>
    %get3A_3 = vector.shape_cast %get3A_2 : vector<1x512x64xf32> to vector<512x64xf32>
    %get3A_4 = arith.constant 0 : index
    %get3A_5 = arith.constant 0 : index
    %get3A_6 = vector.load %arg2[%get3A_4, %get3A_5] : memref<64x64xf32, #tpu.memory_space<vmem>>, vector<64x64xf32>
    %dot_general3A = arith.constant dense<0.000000e+00> : vector<512x64xf32>
    %dot_general3A_7 = tpu.matmul %get3A_3, %get3A_6, %dot_general3A {dimension_numbers = #tpu.dot_dimension_numbers<[1], [0], [0], [1], [0, 0, 1, 1], [], []>, transpose_lhs_hint = false} : vector<512x64xf32>, vector<64x64xf32>, vector<512x64xf32> -> vector<512x64xf32>
    %dot_general3A_8 = arith.constant dense<0.000000e+00> : vector<512x512xf32>
    %dot_general3A_9 = tpu.matmul %dot_general3A_7, %get3A_3, %dot_general3A_8 {dimension_numbers = #tpu.dot_dimension_numbers<[1], [1], [0], [0], [0, 0, 1, 0], [], []>, transpose_lhs_hint = false} : vector<512x64xf32>, vector<512x64xf32>, vector<512x512xf32> -> vector<512x512xf32>
    %logistic3A = arith.negf %dot_general3A_9 : vector<512x512xf32>
    %logistic3A_10 = math.exp %logistic3A : vector<512x512xf32>
    %logistic3A_11 = arith.constant 1.000000e+00 : f32
    %logistic3A_12 = vector.broadcast %logistic3A_11 : f32 to vector<512x512xf32>
    %logistic3A_13 = arith.addf %logistic3A_12, %logistic3A_10 : vector<512x512xf32>
    %logistic3A_14 = arith.divf %logistic3A_12, %logistic3A_13 : vector<512x512xf32>
    %iota3A = tpu.iota {dimensions = array<i32: 0>} : vector<512x512xi32>
    %iota3A_15 = tpu.iota {dimensions = array<i32: 1>} : vector<512x512xi32>
    %ne3A = arith.cmpi ne, %iota3A, %iota3A_15 : vector<512x512xi32>
    %lt3A = arith.constant 500 : i32
    %lt3A_16 = vector.broadcast %lt3A : i32 to vector<512x512xi32>
    %lt3A_17 = arith.cmpi slt, %iota3A, %lt3A_16 : vector<512x512xi32>
    %and3A = arith.andi %ne3A, %lt3A_17 : vector<512x512xi1>
    %lt3A_18 = arith.constant 500 : i32
    %lt3A_19 = vector.broadcast %lt3A_18 : i32 to vector<512x512xi32>
    %lt3A_20 = arith.cmpi slt, %iota3A_15, %lt3A_19 : vector<512x512xi32>
    %and3A_21 = arith.andi %and3A, %lt3A_20 : vector<512x512xi1>
    %jit3A = arith.constant 0.000000e+00 : f32
    %broadcast_in_dim3A = vector.broadcast %jit3A : f32 to vector<512x512xf32>
    %select_n3A = arith.select %and3A_21, %logistic3A_14, %broadcast_in_dim3A : vector<512x512xi1>, vector<512x512xf32>
    %swap3A = arith.constant 0 : index
    %swap3A_22 = arith.constant 0 : index
    %swap3A_23 = arith.constant 0 : index
    %swap3A_24 = vector.load %arg8[%swap3A, %swap3A_22, %swap3A_23] : memref<1x512x512xf32, #tpu.memory_space<vmem>>, vector<1x512x512xf32>
    %swap3A_25 = vector.shape_cast %swap3A_24 : vector<1x512x512xf32> to vector<512x512xf32>
    %swap3A_26 = vector.shape_cast %select_n3A : vector<512x512xf32> to vector<1x512x512xf32>
    tpu.vector_store %arg8[%swap3A, %swap3A_22, %swap3A_23], %swap3A_26 {strides = array<i32>} : memref<1x512x512xf32, #tpu.memory_space<vmem>>, vector<1x512x512xf32>,
    %get3A_27 = arith.constant 0 : index
    %get3A_28 = arith.constant 0 : index
    %get3A_29 = vector.load %arg3[%get3A_27, %get3A_28] : memref<20x64xf32, #tpu.memory_space<vmem>>, vector<20x64xf32>
    %get3A_30 = arith.constant 0 : index
    %get3A_31 = arith.constant 0 : index
    %get3A_32 = vector.load %arg4[%get3A_30, %get3A_31] : memref<64x64xf32, #tpu.memory_space<vmem>>, vector<64x64xf32>
    %dot_general3A_33 = arith.constant dense<0.000000e+00> : vector<20x64xf32>
    %dot_general3A_34 = tpu.matmul %get3A_29, %get3A_32, %dot_general3A_33 {dimension_numbers = #tpu.dot_dimension_numbers<[1], [0], [0], [1], [0, 0, 1, 1], [], []>, transpose_lhs_hint = false} : vector<20x64xf32>, vector<64x64xf32>, vector<20x64xf32> -> vector<20x64xf32>
    %get3A_35 = arith.constant 0 : index
    %get3A_36 = arith.constant 0 : index
    %get3A_37 = vector.load %arg5[%get3A_35, %get3A_36] : memref<1x64xf32, #tpu.memory_space<vmem>>, vector<1x64xf32>
    %add3A = vector.broadcast %get3A_37 : vector<1x64xf32> to vector<20x64xf32>
    %add3A_38 = arith.addf %dot_general3A_34, %add3A : vector<20x64xf32>
    %max3A = arith.constant 0.000000e+00 : f32
    %max3A_39 = vector.broadcast %max3A : f32 to vector<20x64xf32>
    %max3A_40 = arith.maximumf %add3A_38, %max3A_39 : vector<20x64xf32>
    %get3A_41 = arith.constant 0 : index
    %get3A_42 = arith.constant 0 : index
    %get3A_43 = vector.load %arg6[%get3A_41, %get3A_42] : memref<64x64xf32, #tpu.memory_space<vmem>>, vector<64x64xf32>
    %dot_general3A_44 = arith.constant dense<0.000000e+00> : vector<20x64xf32>
    %dot_general3A_45 = tpu.matmul %max3A_40, %get3A_43, %dot_general3A_44 {dimension_numbers = #tpu.dot_dimension_numbers<[1], [0], [0], [1], [0, 0, 1, 1], [], []>, transpose_lhs_hint = false} : vector<20x64xf32>, vector<64x64xf32>, vector<20x64xf32> -> vector<20x64xf32>
    %get3A_46 = arith.constant 0 : index
    %get3A_47 = arith.constant 0 : index
    %get3A_48 = vector.load %arg7[%get3A_46, %get3A_47] : memref<1x64xf32, #tpu.memory_space<vmem>>, vector<1x64xf32>
    %add3A_49 = vector.broadcast %get3A_48 : vector<1x64xf32> to vector<20x64xf32>
    %add3A_50 = arith.addf %dot_general3A_45, %add3A_49 : vector<20x64xf32>
    %swap3A_51 = arith.constant 0 : index
    %swap3A_52 = arith.constant 0 : index
    %swap3A_53 = vector.load %arg9[%swap3A_51, %swap3A_52] : memref<20x64xf32, #tpu.memory_space<vmem>>, vector<20x64xf32>
    tpu.vector_store %arg9[%swap3A_51, %swap3A_52], %add3A_50 {strides = array<i32>} : memref<20x64xf32, #tpu.memory_space<vmem>>, vector<20x64xf32>,
    return
  }
  func.func @transform_0(%arg0: i32) -> (i32, i32, i32) {
    %c0_i32 = arith.constant 0 : i32
    %c0_i32_0 = arith.constant 0 : i32
    %c0_i32_1 = arith.constant 0 : i32
    return %arg0, %c0_i32, %c0_i32_0 : i32, i32, i32
  }
  func.func @transform_1(%arg0: i32) -> (i32, i32) {
    %c0_i32 = arith.constant 0 : i32
    %c0_i32_0 = arith.constant 0 : i32
    %c0_i32_1 = arith.constant 0 : i32
    return %c0_i32, %c0_i32_0 : i32, i32
  }
  func.func @transform_2(%arg0: i32) -> (i32, i32) {
    %c0_i32 = arith.constant 0 : i32
    %c0_i32_0 = arith.constant 0 : i32
    %c0_i32_1 = arith.constant 0 : i32
    return %c0_i32, %c0_i32_0 : i32, i32
  }
  func.func @transform_3(%arg0: i32) -> (i32, i32) {
    %c0_i32 = arith.constant 0 : i32
    %c0_i32_0 = arith.constant 0 : i32
    %c0_i32_1 = arith.constant 0 : i32
    return %c0_i32, %c0_i32_0 : i32, i32
  }
  func.func @transform_4(%arg0: i32) -> (i32, i32) {
    %c0_i32 = arith.constant 0 : i32
    %c0_i32_0 = arith.constant 0 : i32
    %c0_i32_1 = arith.constant 0 : i32
    return %c0_i32, %c0_i32_0 : i32, i32
  }
  func.func @transform_5(%arg0: i32) -> (i32, i32) {
    %c0_i32 = arith.constant 0 : i32
    %c0_i32_0 = arith.constant 0 : i32
    %c0_i32_1 = arith.constant 0 : i32
    return %c0_i32, %c0_i32_0 : i32, i32
  }
  func.func @transform_6(%arg0: i32) -> (i32, i32) {
    %c0_i32 = arith.constant 0 : i32
    %c0_i32_0 = arith.constant 0 : i32
    %c0_i32_1 = arith.constant 0 : i32
    return %c0_i32, %c0_i32_0 : i32, i32
  }
  func.func @transform_7(%arg0: i32) -> (i32, i32, i32) {
    %c0_i32 = arith.constant 0 : i32
    %c0_i32_0 = arith.constant 0 : i32
    %c0_i32_1 = arith.constant 0 : i32
    return %arg0, %c0_i32, %c0_i32_0 : i32, i32, i32
  }
  func.func @transform_8(%arg0: i32) -> (i32, i32) {
    %c0_i32 = arith.constant 0 : i32
    %c0_i32_0 = arith.constant 0 : i32
    %c0_i32_1 = arith.constant 0 : i32
    return %c0_i32, %c0_i32_0 : i32, i32
  }
}

</mosaic_0001>

<sc_bundles>
// kernel: kernel.10.cloned.1.call-start
scs
__scs_entry_jumppad:
0x0: {  	(pc) =	sbr.rel $0x88, $3  }
0x1: {  	(tag) =	ssettag $0x0;
	lr =	simm.s32 $0x1  }
0x2: {  	[smem:$0x3F8A] =	sst lr;
	_ =	strace $0xD0000000  }
0x3: {  	_ = 	snop  }
0x4: {  	_ = 	snop  }
0x5: {  	_ = 	snop  }
0x6: {  	_ = 	snop  }
0x7: {  	_ = 	snop  }
__scs_overlays_trampoline_lowered:
0x8: {  	[smem:$0x3F99] =	sst s0  }
0x9: {  	[smem:$0x3F9A] =	sst s1  }
0xa: {  	[smem:$0x3F9B] =	sst s2  }
0xb: {  	[smem:$0x3F9C] =	sst s3  }
0xc: {  	[smem:$0x3F9D] =	sst s4  }
0xd: {  	[smem:$0x3F9E] =	sst s5  }
0xe: {  	[smem:$0x3F9F] =	sst s6  }
0xf: {  	[smem:$0x3FA0] =	sst s7  }
0x10: {  	[smem:$0x3FA1] =	sst s8  }
0x11: {  	[smem:$0x3FA2] =	sst s9;
	s0 =	simm.s32 @!p0 $0x0  }
0x12: {  	s1 =	sld [smem:$0x3F88];
	s0 =	simm.s32 @p0 $0x1  }
0x13: {  	[smem:$0x3FA3] =	sst s0;
	s0 =	simm.s32 @!p1 $0x0  }
0x14: {  	s2 =	sld [smem:$0x3F87];
	s0 =	simm.s32 @p1 $0x1  }
0x15: {  	[smem:$0x3FA4] =	sst s0;
	s0 =	simm.s32 @!p2 $0x0  }
0x16: {  	s3 =	sld [smem:$0x3FDB];
	s0 =	simm.s32 @p2 $0x1  }
0x17: {  	s4 =	simm.s32 $0x1BF5;
	[smem:$0x3FA6] =	sst s0  }
0x18: {  	s0 =	sld [smem:$0x3F89];
	_ =	swait.ge [sflag:s4], $0x0  }
0x19: {  	s7 =	sld [smem:$0x3F8A]  }
0x1a: {  	s8 =	sadd.s32 $0xFFFFE003, lr  }
0x1b: {  	s9 =	sadd.s32 $0xFFFFFEF7, lr;
	s5 =	simm.s32 $0xFFFFFFFF;
	p2 =	slt.u32 s8, $0xFFFFF086  }
0x1c: {  	p1 =	slt.u32 s9, $0xF7A;
	s5 =	simm.s32 @!p2 $0x0  }
0x1d: {  	s5 =	simm.s32 @p1 $0x1;
	p0 =	seq.s32 s7, s2  }
0x1e: {  	s7 =	smul.u32 @!p0 $0xF7A, s2;
	p2 =	seq.s32 @!p0 s5, $0x0  }
0x1f: {  	s9 =	smul.u32 $0xF7A, s1;
	s8 =	simm.s32 @!p0 $0x1BF5;
	p2 =	por !p2, p0  }
0x20: {  	[sflag:s8] =	ssyncset.s32 @!p0 $0xFFFFF086;
	s6 =	sadd.s32 @!p0 s3, s7;
	s7 =	simm.s32 @!p0 $0x108  }
0x21: {  	s3 =	sadd.s32 s3, s9;
	s6 =	sadd.s32 @!p0 $0x88, s6;
	s7 =	simm.s32 @p2 $0x1082  }
0x22: {  	[simem:s7], [sflag:s8] =	dma.local @!p0 [hbm:s6], $0xF7A  }
0x23: {  	s9 =	sor.u32 $0xD0000000, s2;
	s6 =	simm.s32 $0x108;
	_ =	swait.ge @!p0 [sflag:s8], $0x0  }
0x24: {  	s3 =	sadd.s32 $0x88, s3;
	s6 =	simm.s32 @!p1 $0x1082;
	[sflag:s4] =	ssyncset.s32 $0xFFFFF086  }
0x25: {  	[simem:s6], [sflag:s4] =	dma.local [hbm:s3], $0xF7A  }
0x26: {  	[smem:$0x3F8A] =	sst s1;
	(tag) =	ssettag s2;
	_ =	strace s9  }
0x27: {  	s1 =	sld [smem:$0x3F9A]  }
0x28: {  	s2 =	sld [smem:$0x3F9B]  }
0x29: {  	s4 =	sld [smem:$0x3F9D]  }
0x2a: {  	p0 =	seq.s32 s5, $0x0;
	s5 =	sld [smem:$0x3F9E]  }
0x2b: {  	s6 =	sld [smem:$0x3F9F]  }
0x2c: {  	s7 =	sld [smem:$0x3FA0]  }
0x2d: {  	s3 =	simm.s32 $0x108;
	s8 =	sld [smem:$0x3FA1]  }
0x2e: {  	s3 =	simm.s32 @!p0 $0x1082;
	s9 =	sld [smem:$0x3FA2]  }
0x2f: {  	lr =	sadd.s32 s0, s3;
	s0 =	sld [smem:$0x3F99]  }
0x30: {  	s3 =	sld [smem:$0x3F9C]  }
0x31: {  	[smem:$0x3FA5] =	sst s10  }
0x32: {  	s10 =	sld [smem:$0x3FA3];
	_ =	sdelay $0x3  }
0x33: {  	p0 =	seq.s32 s10, $0x1;
	s10 =	sld [smem:$0x3FA5];
	_ =	sdelay $0x3  }
0x34: {  	[smem:$0x3FA5] =	sst s10  }
0x35: {  	s10 =	sld [smem:$0x3FA4];
	_ =	sdelay $0x3  }
0x36: {  	p1 =	seq.s32 s10, $0x1;
	s10 =	sld [smem:$0x3FA5];
	_ =	sdelay $0x3  }
0x37: {  	[smem:$0x3FA5] =	sst s10  }
0x38: {  	s10 =	sld [smem:$0x3FA6]  }
0x39: {  	_ = 	snop;
	(pc) =	sbr.ind lr, $3  }
0x3a: {  	_ = 	snop  }
0x3b: {  	_ = 	snop  }
0x3c: {  	p2 =	seq.s32 s10, $0x1;
	s10 =	sld [smem:$0x3FA5]  }
0x3d: {  	_ =	shalt  }
0x3e: {  	_ =	shalt  }
0x3f: {  	_ =	shalt  }
0x40: {  	_ =	shalt  }
0x41: {  	_ =	shalt  }
0x42: {  	_ =	shalt  }
0x43: {  	_ =	shalt  }
0x44: {  	_ =	shalt  }
0x45: {  	_ =	shalt  }
0x46: {  	_ =	shalt  }
0x47: {  	_ =	shalt  }
0x48: {  	_ =	shalt  }
0x49: {  	_ =	shalt  }
0x4a: {  	_ =	shalt  }
0x4b: {  	_ =	shalt  }
0x4c: {  	_ =	shalt  }
0x4d: {  	_ =	shalt  }
0x4e: {  	_ =	shalt  }
0x4f: {  	_ =	shalt  }
0x50: {  	_ =	shalt  }
0x51: {  	_ =	shalt  }
0x52: {  	_ =	shalt  }
0x53: {  	_ =	shalt  }
0x54: {  	_ =	shalt  }
0x55: {  	_ =	shalt  }
0x56: {  	_ =	shalt  }
0x57: {  	_ =	shalt  }
0x58: {  	_ =	shalt  }
0x59: {  	_ =	shalt  }
0x5a: {  	_ =	shalt  }
0x5b: {  	_ =	shalt  }
0x5c: {  	_ =	shalt  }
0x5d: {  	_ =	shalt  }
0x5e: {  	_ =	shalt  }
0x5f: {  	_ =	shalt  }
0x60: {  	_ =	shalt  }
0x61: {  	_ =	shalt  }
0x62: {  	_ =	shalt  }
0x63: {  	_ =	shalt  }
0x64: {  	_ =	shalt  }
0x65: {  	_ =	shalt  }
0x66: {  	_ =	shalt  }
0x67: {  	_ =	shalt  }
0x68: {  	_ =	shalt  }
0x69: {  	_ =	shalt  }
0x6a: {  	_ =	shalt  }
0x6b: {  	_ =	shalt  }
0x6c: {  	_ =	shalt  }
0x6d: {  	_ =	shalt  }
0x6e: {  	_ =	shalt  }
0x6f: {  	_ =	shalt  }
0x70: {  	_ =	shalt  }
0x71: {  	_ =	shalt  }
0x72: {  	_ =	shalt  }
0x73: {  	_ =	shalt  }
0x74: {  	_ =	shalt  }
0x75: {  	_ =	shalt  }
0x76: {  	_ =	shalt  }
0x77: {  	_ =	shalt  }
0x78: {  	_ =	shalt  }
0x79: {  	_ =	shalt  }
0x7a: {  	_ =	shalt  }
0x7b: {  	_ =	shalt  }
0x7c: {  	_ =	shalt  }
0x7d: {  	_ =	shalt  }
0x7e: {  	_ =	shalt  }
0x7f: {  	_ =	shalt  }
0x80: {  	_ =	shalt  }
0x81: {  	_ =	shalt  }
0x82: {  	_ =	shalt  }
0x83: {  	_ =	shalt  }
0x84: {  	_ =	shalt  }
0x85: {  	_ =	shalt  }
0x86: {  	_ =	shalt  }
0x87: {  	_ =	shalt  }
.Lfunc_end0:
.L_simem_size_0:
called_computation_lowered:
.L_overlay_start_0:
0x88: {  	s2 =	sld [smem:$0x3FD9]  }
0x89: {  	s3 =	sld [smem:$0x3FFE];
	_ =	sdelay $0x1  }
0x8a: {  	s1 =	srdreg.scid  }
0x8b: {  	s0 =	sand.u32 $0x1, s1  }
0x8c: {  	s14 =	sshll.u32 s0, $0xA;
	s2 =	sadd.s32 s3, s2  }
0x8d: {  	s2 =	sadd.s32 s2, s14  }
0x8e: {  	[smem:$0x3FB1] =	sst s2  }
0x8f: {  	_ = 	snop  }
0x90: {  	s2 =	sld [smem:$0x3FD0];
	_ =	sdelay $0x2  }
0x91: {  	s15 =	simm.s32 $0xA;
	s4 =	simm.s32 $0x10  }
0x92: {  	[smem:s4], [sflag:s15] =	dma.local [hbm:s2], $0x1  }
0x93: {  	_ =	swait.eq [sflag:s15], $0x1  }
0x94: {  	[sflag:s15] =	ssyncset.done $0x0  }
0x95: {  	s16 =	sld [smem:$0x10];
	[sflag:s15] =	ssyncadd.s32 $0xFFFFFFFF  }
0x96: {  	s17 =	sld [smem:$0x12];
	(tm) =	ssettm $0x1  }
0x97: {  	s18 =	sld [smem:$0x3FFB];
	_ =	sdelay $0x3  }
0x98: {  	_ =	strace s18  }
0x99: {  	s4 =	sld [smem:$0x3FFC];
	_ =	sdelay $0x3  }
0x9a: {  	_ =	strace s4  }
0x9b: {  	s4 =	sld [smem:$0x3FFD];
	_ =	sdelay $0x3  }
0x9c: {  	_ =	strace s4  }
0x9d: {  	_ =	strace $0x8FFFFFFF  }
0x9e: {  	s19 =	sld [smem:$0x3FDB];
	_ =	sdelay $0x1  }
0x9f: {  	s5 =	simm.s32 $_scs_section_size  }
0xa0: {  	s6 =	simm.s32 $_size__tile_overlayer_lowered;
	s7 =	simm.s32 $_tile_overlayer_lowered  }
0xa1: {  	s22 =	simm.s32 $0x1BFF;
	s21 =	sshll.u32 s7, $0x1;
	s4 =	sadd.s32 s5, s19  }
0xa2: {  	s8 =	simm.s32 $0x0;
	s20 =	sshll.u32 s6, $0x1;
	s6 =	sadd.s32 s21, s4  }
0xa3: {  	[timem:s8], [sflag:s22] =	dma.local [hbm:s6], s20  }
0xa4: {  	_ =	swait.ge [sflag:s22], s20  }
0xa5: {  	s5 =	ssub.s32 $0x0, s20;
	[sflag:s22] =	ssyncset.done $0x0  }
0xa6: {  	[sflag:s22] =	ssyncadd.s32 s5;
	_ =	sdelay $0x1  }
0xa7: {  	s23 =	simm.s32 $0x1B8B  }
0xa8: {  	_ =	swait.ge [sflag:s23], $0x1  }
0xa9: {  	[sflag:s23] =	ssyncset.done $0x0  }
0xaa: {  	s25 =	simm.s32 $0x1B8E;
	s24 =	sld [smem:$0x3FFE];
	[sflag:s23] =	ssyncadd.s32 $0xFFFFFFFF  }
0xab: {  	s26 =	simm.s32 $execute0_lowered;
	[smem:$0x3FD2] =	sst s25  }
0xac: {  	s6 =	sshll.u32 s26, $0x1;
	_ =	strace $0x80000046;
	[dreg:$0x1] =	wrdreg $0xFFFFFFFF  }
0xad: {  	s28 =	simm.s32 $_size_execute0_lowered;
	s4 =	sadd.s32 s4, s6;
	[dreg:$0x0] =	wrdreg $0x0  }
0xae: {  	s6 =	sshll.u32 s28, $0x1;
	[dreg:$0x2] =	wrdreg s4  }
0xaf: {  	[dreg:$0x3] =	wrdreg s6  }
0xb0: {  	[dreg:$0x4] =	wrdreg $0xC0  }
0xb1: {  	_ =	task [dreg:s8], $0x5FFFF  }
0xb2: {  	[dreg:$0x1] =	wrdreg $0xFFFFFFFF  }
0xb3: {  	[dreg:$0x0] =	wrdreg $0x60  }
0xb4: {  	[dreg:$0x2] =	wrdreg s24  }
0xb5: {  	[dreg:$0x3] =	wrdreg s16  }
0xb6: {  	[dreg:$0x4] =	wrdreg s17  }
0xb7: {  	[dreg:$0x5] =	wrdreg $0x29000  }
0xb8: {  	[dreg:$0x6] =	wrdreg $0x9  }
0xb9: {  	_ =	task.clear_ibuf [dreg:s8], $0x7FFFF;
	_ =	strace $0x90000046  }
0xba: {  	s29 =	simm.s32 $0x9;
	_ =	strace $0x80000048  }
0xbb: {  	_ =	swait.ge [sflag:s29], $0x1  }
0xbc: {  	[sflag:s29] =	ssyncadd.s32 $0xFFFFFFFF  }
0xbd: {  	_ =	strace $0x90000048  }
0xbe: {  	_ =	sfence  }
0xbf: {  	s30 =	sld [smem:$0x0];
	_ =	sdelay $0x2  }
0xc0: {  	s31 =	sshll.u32 s1, $0xD;
	s1 =	sshrl.u32 s1, $0x2  }
0xc1: {  	s3 =	sand.u32 $0x4000, s31;
	s1 =	sadd.s32 s1, s30  }
0xc2: {  	s0 =	sor.u32 s3, s0;
	s1 =	sshll.u32 s1, $0x11  }
0xc3: {  	s0 =	sor.u32 s1, s0  }
0xc4: {  	s0 =	sadd.s32 $0x8F2B, s0  }
0xc5: {  	[sflag:s0] =	ssyncadd.remote.s32 $0x1  }
0xc6: {  	_ =	sfence.sel $0xFFFF  }
0xc7: {  	[dreg:$0x0] =	wrdreg $0xFFFFFFFF;
	(pc) =	sbr.abs _section_cstart, $3  }
0xc8: {  	[dreg:$0x1] =	wrdreg $0xFFFFFFFF  }
0xc9: {  	_ =	task.clear_ibuf [dreg:s8], $0x2FFFF;
	_ =	strace $0x9FFFFFFF  }
0xca: {  	(tm) =	ssettm $0x7FFFFFFF  }
0xcb: {  	_ =	shalt  }
tec
execute0_lowered:
.L_overlay_start_1:
0x0: {  	(tag) =	ssettag $0x1  }
0x1: {  	s6 =	rddreg [dreg:$0x0]  }
0x2: {  	s1 =	rddreg [dreg:$0x1]  }
0x3: {  	s10 =	rddreg [dreg:$0x2]  }
0x4: {  	s2 =	rddreg [dreg:$0x3]  }
0x5: {  	s0 =	rddreg [dreg:$0x4];
	s4 =	simm.s32 $0x0;
	s3 =	stileid.u32  }
0x6: {  	s7 =	srdreg.scid;
	s17 =	simm.s32 $0x100;
	s18 =	simm.s32 $0x1  }
0x7: {  	s19 =	simm.s32 $0x0;
	[smem:$0x7FF] =	sst s4;
	s5 =	sadd.s32 $0x5C00, s6  }
0x8: {  	s9 =	smul.u32 $0x2800, s3;
	s7 =	sand.u32 $0x1, s7;
	s12 =	sshll.u32 s3, $0xE  }
0x9: {  	s28 =	smul.u32 $0x50000, s3;
	s31 =	sshll.u32 s3, $0x6;
	_ =	strace $0x80000047  }
0xa: {  	s8 =	ssub.s32 $0x2, s7;
	s11 =	sshll.u32 s7, $0x12;
	s15 =	smul.u32 $0x28000, s7  }
0xb: {  	s13 =	sshrl.u32 s8, $0x1;
	s11 =	sor.u32 s12, s11;
	s14 =	sadd.s32 s9, s6  }
0xc: {  	s12 =	sshrl.u32 s28, $0x2;
	s13 =	ssub.s32 s8, s13;
	s6 =	sor.u32 $0x80000, s11  }
0xd: {  	s16 =	sadd.s32 s12, s2;
	s11 =	sshrl.u32 s11, $0x3;
	s8 =	sadd.s32 $0x25C00, s14  }
0xe: {  	s30 =	sadd.s32 s9, s15;
	s12 =	simm.s32 $0x2;
	s15 =	simm.s32 $0x80  }
0xf: {  	s29 =	sshrl.u32 s6, $0x3;
	s11 =	sadd.s32 s11, s5;
	s10 =	sadd.s32 s10, s30  }
0x10: {  	s14 =	sshrl.u32 s16, $0x3;
	s16 =	simm.s32 $0x50;
	s7 =	sadd.s32 s5, s29  }
0x11: {  	s9 =	sadd.s32 $0x10010, s11;
	s11 =	smax.u32 s13, $0x1;
	s13 =	sor.u32 $0x1C02, s31  }
.LBB2_1:
0x12: {  	[tilespmem:s17], [sflag:$0x2] =	stream.linear.gather [hbm4b:s1+s4], $0x2800, $0x38;
	[tilespmem:$0x16900] =	vst v63  }
0x13: {  	_ =	swait.ge [sflag:s12], $0x2800  }
0x14: {  	[sflag:s12] =	ssyncset.done $0x0  }
0x15: {  	[sflag:s12] =	ssyncadd.s32 $0xFFFFD800  }
0x16: {  	[tilespmem:s4], [sflag:$0x2] =	stream.linear.gather [hbm4b:s7+s4], $0x80, $0x38;
	[tilespmem:$0x16900] =	vst v63  }
0x17: {  	_ =	swait.ge [sflag:s12], $0x80  }
0x18: {  	[sflag:s12] =	ssyncset.done $0x0  }
0x19: {  	[sflag:s12] =	ssyncadd.s32 $0xFFFFFF80  }
0x1a: {  	[spmem:s14], [sflag:s13] =	dma.local [hbm:s8], $0x2800  }
.Ltmp0:
0x1b: {  	_ =	swait.ge [sflag:s12], $0x2800;
	(pc) =	sbr.rel .LBB2_2-.Ltmp0, $4  }
0x1c: {  	[sflag:s12] =	ssyncset.done $0x0  }
0x1d: {  	s20 =	simm.s32 $0x0;
	[sflag:s12] =	ssyncadd.s32 $0xFFFFD800  }
0x1e: {  	s21 =	simm.s32 $0x100;
	s22 =	simm.s32 $0x0;
	[bflag:$0x0] =	sbarrier.arrive $0xFFFF  }
0x1f: {  	[tilespmem:s15], [sflag:$0x1] =	stream.linear.gather [hbm4b:s9+s4], $0x80, $0x38;
	[tilespmem:$0x16900] =	vst v63  }
.LBB2_3:
0x20: {  	s24 =	sand.u32 $0x7C00, s21  }
0x21: {  	s25 =	sand.u32 $0x380, s21;
	s24 =	sadd.s32 s6, s24  }
0x22: {  	s24 =	sor.u32 s25, s24  }
0x23: {  	s24 =	sshrl.u32 s24, $0x3  }
0x24: {  	s24 =	sadd.s32 s5, s24  }
0x25: {  	[tilespmem:s23], [sflag:$0x1] =	stream.linear.gather [hbm4b:s24+s4], $0x80, $0x38;
	[tilespmem:$0x16900] =	vst v63  }
.LBB2_5:
0x26: {  	_ =	swait.ge [sflag:s18], $0x80  }
0x27: {  	s22 =	sadd.s32 $0x1, s22;
	[sflag:s18] =	ssyncset.done $0x0  }
0x28: {  	s21 =	sadd.s32 $0x80, s21;
	s20 =	sadd.s32 $0x200, s20;
	[sflag:s18] =	ssyncadd.s32 $0xFFFFFF80  }
.LBB2_2:
0x29: {  	s23 =	sshrl.u32 s20, $0x2;
	p0 =	sgt.u32 s22, $0x7A  }
.Ltmp1:
0x2a: {  	s23 =	sand.u32 $0x80, s23;
	(pc) =	sbr.rel @!p0 .LBB2_3-.Ltmp1, $4  }
0x2b: {  	[spmem:s2] =	stream.indirect.scatter.add.f32 [tilespmem:s17], [sflag:$0x2], $0x80, s23, s16, $0xb8;
	[tilespmem:$0x16900] =	vst v63  }
0x2c: {  	_ =	swait.ge [sflag:s12], $0x2800  }
0x2d: {  	[sflag:s12] =	ssyncset.done $0x0  }
0x2e: {  	[sflag:s12] =	ssyncadd.s32 $0xFFFFD800  }
0x2f: {  	p0 =	seq.s32 s22, $0x7C  }
.Ltmp2:
0x30: {  	_ = 	snop;
	(pc) =	sbr.rel @!p0 .LBB2_5-.Ltmp2, $1  }
0x31: {  	_ =	sdelay $0x3  }
0x32: {  	s19 =	sadd.s32 $0x1, s19  }
0x33: {  	p0 =	sne.s32 s19, s11  }
.Ltmp3:
0x34: {  	[bflag:$0x0] =	sbarrier.arrive $0xFFFF;
	(pc) =	sbr.rel @p0 .LBB2_1-.Ltmp3, $4  }
0x35: {  	[hbm:s10], [sflag:s13] =	dma.local [spmem:s14], $0x2800  }
0x36: {  	_ =	swait.ge [sflag:s12], $0x2800  }
0x37: {  	[sflag:s12] =	ssyncset.done $0x0  }
0x38: {  	[sflag:s12] =	ssyncadd.s32 $0xFFFFD800  }
0x39: {  	_ =	sfence.sel $0x180000  }
0x3a: {  	[bflag:$0x0] =	sbarrier.arrive $0xFFFF  }
0x3b: {  	p0 =	sne.s32 s3, $0x0;
	_ =	strace $0x90000047  }
0x3c: {  	s0 =	sadd.s32 @!p0 $0x100000, s0;
	[bflag:$0x2] =	sbarrier.arrive $0xFFFF  }
0x3d: {  	[sflag:s0] =	ssyncadd.tile.s32 @!p0 $0x1;
	_ =	shalt  }
.Lfunc_end2:
_tile_overlayer_lowered:
.L_overlay_start_2:
0x3e: {  	(tag) =	ssettag $0x2  }
0x3f: {  	s0 =	rddreg [dreg:$0x0];
	s2 =	stileid.u32  }
0x40: {  	s1 =	rddreg [dreg:$0x1];
	p0 =	sne.s32 s2, $0x0  }
0x41: {  	s3 =	rddreg [dreg:$0x2];
	[bflag:$0x3] =	sbarrier.arrive $0xFFFF;
	s2 =	simm.s32 @!p0 $0x1C02  }
0x42: {  	[timem:s3], [sflag:s2] =	dma.local @!p0 [hbm:s0], s1  }
0x43: {  	s0 =	simm.s32 @!p0 $0x2  }
0x44: {  	_ =	swait.ge @!p0 [sflag:s0], s1  }
0x45: {  	s1 =	ssub.s32 @!p0 $0x0, s1;
	[sflag:s0] =	ssyncset.done @!p0 $0x0  }
0x46: {  	[sflag:s0] =	ssyncadd.s32 @!p0 s1  }
0x47: {  	[bflag:$0x3] =	sbarrier.arrive $0xFFFF  }
0x48: {  	_ =	shalt  }

// kernel: kernel.13.cloned.1.call-start
scs
__scs_entry_jumppad:
0x0: {  	(pc) =	sbr.rel $0x88, $3  }
0x1: {  	(tag) =	ssettag $0x0;
	lr =	simm.s32 $0x1  }
0x2: {  	[smem:$0x3F8A] =	sst lr;
	_ =	strace $0xD0000000  }
0x3: {  	_ = 	snop  }
0x4: {  	_ = 	snop  }
0x5: {  	_ = 	snop  }
0x6: {  	_ = 	snop  }
0x7: {  	_ = 	snop  }
__scs_overlays_trampoline_lowered:
0x8: {  	[smem:$0x3F99] =	sst s0  }
0x9: {  	[smem:$0x3F9A] =	sst s1  }
0xa: {  	[smem:$0x3F9B] =	sst s2  }
0xb: {  	[smem:$0x3F9C] =	sst s3  }
0xc: {  	[smem:$0x3F9D] =	sst s4  }
0xd: {  	[smem:$0x3F9E] =	sst s5  }
0xe: {  	[smem:$0x3F9F] =	sst s6  }
0xf: {  	[smem:$0x3FA0] =	sst s7  }
0x10: {  	[smem:$0x3FA1] =	sst s8  }
0x11: {  	[smem:$0x3FA2] =	sst s9;
	s0 =	simm.s32 @!p0 $0x0  }
0x12: {  	s1 =	sld [smem:$0x3F88];
	s0 =	simm.s32 @p0 $0x1  }
0x13: {  	[smem:$0x3FA3] =	sst s0;
	s0 =	simm.s32 @!p1 $0x0  }
0x14: {  	s2 =	sld [smem:$0x3F87];
	s0 =	simm.s32 @p1 $0x1  }
0x15: {  	[smem:$0x3FA4] =	sst s0;
	s0 =	simm.s32 @!p2 $0x0  }
0x16: {  	s3 =	sld [smem:$0x3FDB];
	s0 =	simm.s32 @p2 $0x1  }
0x17: {  	s4 =	simm.s32 $0x1BF5;
	[smem:$0x3FA6] =	sst s0  }
0x18: {  	s0 =	sld [smem:$0x3F89];
	_ =	swait.ge [sflag:s4], $0x0  }
0x19: {  	s7 =	sld [smem:$0x3F8A]  }
0x1a: {  	s8 =	sadd.s32 $0xFFFFE003, lr  }
0x1b: {  	s9 =	sadd.s32 $0xFFFFFEF7, lr;
	s5 =	simm.s32 $0xFFFFFFFF;
	p2 =	slt.u32 s8, $0xFFFFF086  }
0x1c: {  	p1 =	slt.u32 s9, $0xF7A;
	s5 =	simm.s32 @!p2 $0x0  }
0x1d: {  	s5 =	simm.s32 @p1 $0x1;
	p0 =	seq.s32 s7, s2  }
0x1e: {  	s7 =	smul.u32 @!p0 $0xF7A, s2;
	p2 =	seq.s32 @!p0 s5, $0x0  }
0x1f: {  	s9 =	smul.u32 $0xF7A, s1;
	s8 =	simm.s32 @!p0 $0x1BF5;
	p2 =	por !p2, p0  }
0x20: {  	[sflag:s8] =	ssyncset.s32 @!p0 $0xFFFFF086;
	s6 =	sadd.s32 @!p0 s3, s7;
	s7 =	simm.s32 @!p0 $0x108  }
0x21: {  	s3 =	sadd.s32 s3, s9;
	s6 =	sadd.s32 @!p0 $0x88, s6;
	s7 =	simm.s32 @p2 $0x1082  }
0x22: {  	[simem:s7], [sflag:s8] =	dma.local @!p0 [hbm:s6], $0xF7A  }
0x23: {  	s9 =	sor.u32 $0xD0000000, s2;
	s6 =	simm.s32 $0x108;
	_ =	swait.ge @!p0 [sflag:s8], $0x0  }
0x24: {  	s3 =	sadd.s32 $0x88, s3;
	s6 =	simm.s32 @!p1 $0x1082;
	[sflag:s4] =	ssyncset.s32 $0xFFFFF086  }
0x25: {  	[simem:s6], [sflag:s4] =	dma.local [hbm:s3], $0xF7A  }
0x26: {  	[smem:$0x3F8A] =	sst s1;
	(tag) =	ssettag s2;
	_ =	strace s9  }
0x27: {  	s1 =	sld [smem:$0x3F9A]  }
0x28: {  	s2 =	sld [smem:$0x3F9B]  }
0x29: {  	s4 =	sld [smem:$0x3F9D]  }
0x2a: {  	p0 =	seq.s32 s5, $0x0;
	s5 =	sld [smem:$0x3F9E]  }
0x2b: {  	s6 =	sld [smem:$0x3F9F]  }
0x2c: {  	s7 =	sld [smem:$0x3FA0]  }
0x2d: {  	s3 =	simm.s32 $0x108;
	s8 =	sld [smem:$0x3FA1]  }
0x2e: {  	s3 =	simm.s32 @!p0 $0x1082;
	s9 =	sld [smem:$0x3FA2]  }
0x2f: {  	lr =	sadd.s32 s0, s3;
	s0 =	sld [smem:$0x3F99]  }
0x30: {  	s3 =	sld [smem:$0x3F9C]  }
0x31: {  	[smem:$0x3FA5] =	sst s10  }
0x32: {  	s10 =	sld [smem:$0x3FA3];
	_ =	sdelay $0x3  }
0x33: {  	p0 =	seq.s32 s10, $0x1;
	s10 =	sld [smem:$0x3FA5];
	_ =	sdelay $0x3  }
0x34: {  	[smem:$0x3FA5] =	sst s10  }
0x35: {  	s10 =	sld [smem:$0x3FA4];
	_ =	sdelay $0x3  }
0x36: {  	p1 =	seq.s32 s10, $0x1;
	s10 =	sld [smem:$0x3FA5];
	_ =	sdelay $0x3  }
0x37: {  	[smem:$0x3FA5] =	sst s10  }
0x38: {  	s10 =	sld [smem:$0x3FA6]  }
0x39: {  	_ = 	snop;
	(pc) =	sbr.ind lr, $3  }
0x3a: {  	_ = 	snop  }
0x3b: {  	_ = 	snop  }
0x3c: {  	p2 =	seq.s32 s10, $0x1;
	s10 =	sld [smem:$0x3FA5]  }
0x3d: {  	_ =	shalt  }
0x3e: {  	_ =	shalt  }
0x3f: {  	_ =	shalt  }
0x40: {  	_ =	shalt  }
0x41: {  	_ =	shalt  }
0x42: {  	_ =	shalt  }
0x43: {  	_ =	shalt  }
0x44: {  	_ =	shalt  }
0x45: {  	_ =	shalt  }
0x46: {  	_ =	shalt  }
0x47: {  	_ =	shalt  }
0x48: {  	_ =	shalt  }
0x49: {  	_ =	shalt  }
0x4a: {  	_ =	shalt  }
0x4b: {  	_ =	shalt  }
0x4c: {  	_ =	shalt  }
0x4d: {  	_ =	shalt  }
0x4e: {  	_ =	shalt  }
0x4f: {  	_ =	shalt  }
0x50: {  	_ =	shalt  }
0x51: {  	_ =	shalt  }
0x52: {  	_ =	shalt  }
0x53: {  	_ =	shalt  }
0x54: {  	_ =	shalt  }
0x55: {  	_ =	shalt  }
0x56: {  	_ =	shalt  }
0x57: {  	_ =	shalt  }
0x58: {  	_ =	shalt  }
0x59: {  	_ =	shalt  }
0x5a: {  	_ =	shalt  }
0x5b: {  	_ =	shalt  }
0x5c: {  	_ =	shalt  }
0x5d: {  	_ =	shalt  }
0x5e: {  	_ =	shalt  }
0x5f: {  	_ =	shalt  }
0x60: {  	_ =	shalt  }
0x61: {  	_ =	shalt  }
0x62: {  	_ =	shalt  }
0x63: {  	_ =	shalt  }
0x64: {  	_ =	shalt  }
0x65: {  	_ =	shalt  }
0x66: {  	_ =	shalt  }
0x67: {  	_ =	shalt  }
0x68: {  	_ =	shalt  }
0x69: {  	_ =	shalt  }
0x6a: {  	_ =	shalt  }
0x6b: {  	_ =	shalt  }
0x6c: {  	_ =	shalt  }
0x6d: {  	_ =	shalt  }
0x6e: {  	_ =	shalt  }
0x6f: {  	_ =	shalt  }
0x70: {  	_ =	shalt  }
0x71: {  	_ =	shalt  }
0x72: {  	_ =	shalt  }
0x73: {  	_ =	shalt  }
0x74: {  	_ =	shalt  }
0x75: {  	_ =	shalt  }
0x76: {  	_ =	shalt  }
0x77: {  	_ =	shalt  }
0x78: {  	_ =	shalt  }
0x79: {  	_ =	shalt  }
0x7a: {  	_ =	shalt  }
0x7b: {  	_ =	shalt  }
0x7c: {  	_ =	shalt  }
0x7d: {  	_ =	shalt  }
0x7e: {  	_ =	shalt  }
0x7f: {  	_ =	shalt  }
0x80: {  	_ =	shalt  }
0x81: {  	_ =	shalt  }
0x82: {  	_ =	shalt  }
0x83: {  	_ =	shalt  }
0x84: {  	_ =	shalt  }
0x85: {  	_ =	shalt  }
0x86: {  	_ =	shalt  }
0x87: {  	_ =	shalt  }
.Lfunc_end0:
.L_simem_size_0:
called_computation.1_lowered:
.L_overlay_start_0:
0x88: {  	s2 =	sld [smem:$0x3FD9]  }
0x89: {  	s3 =	sld [smem:$0x3FFE];
	_ =	sdelay $0x1  }
0x8a: {  	s1 =	srdreg.scid  }
0x8b: {  	s0 =	sand.u32 $0x1, s1  }
0x8c: {  	s14 =	sshll.u32 s0, $0xA;
	s2 =	sadd.s32 s3, s2  }
0x8d: {  	s2 =	sadd.s32 s2, s14  }
0x8e: {  	[smem:$0x3FB1] =	sst s2  }
0x8f: {  	_ = 	snop  }
0x90: {  	s2 =	sld [smem:$0x3FD0];
	_ =	sdelay $0x2  }
0x91: {  	s15 =	simm.s32 $0xA;
	s4 =	simm.s32 $0x10  }
0x92: {  	[smem:s4], [sflag:s15] =	dma.local [hbm:s2], $0x1  }
0x93: {  	_ =	swait.eq [sflag:s15], $0x1  }
0x94: {  	[sflag:s15] =	ssyncset.done $0x0  }
0x95: {  	s16 =	sld [smem:$0x11];
	[sflag:s15] =	ssyncadd.s32 $0xFFFFFFFF  }
0x96: {  	s17 =	sld [smem:$0x12];
	(tm) =	ssettm $0x1  }
0x97: {  	s18 =	sld [smem:$0x3FFB];
	_ =	sdelay $0x3  }
0x98: {  	_ =	strace s18  }
0x99: {  	s4 =	sld [smem:$0x3FFC];
	_ =	sdelay $0x3  }
0x9a: {  	_ =	strace s4  }
0x9b: {  	s4 =	sld [smem:$0x3FFD];
	_ =	sdelay $0x3  }
0x9c: {  	_ =	strace s4  }
0x9d: {  	_ =	strace $0x8FFFFFFF  }
0x9e: {  	s19 =	sld [smem:$0x3FDB];
	_ =	sdelay $0x1  }
0x9f: {  	s5 =	simm.s32 $_scs_section_size  }
0xa0: {  	s6 =	simm.s32 $_size__tile_overlayer_lowered;
	s7 =	simm.s32 $_tile_overlayer_lowered  }
0xa1: {  	s22 =	simm.s32 $0x1BFF;
	s21 =	sshll.u32 s7, $0x1;
	s4 =	sadd.s32 s5, s19  }
0xa2: {  	s8 =	simm.s32 $0x0;
	s20 =	sshll.u32 s6, $0x1;
	s6 =	sadd.s32 s21, s4  }
0xa3: {  	[timem:s8], [sflag:s22] =	dma.local [hbm:s6], s20  }
0xa4: {  	_ =	swait.ge [sflag:s22], s20  }
0xa5: {  	s5 =	ssub.s32 $0x0, s20;
	[sflag:s22] =	ssyncset.done $0x0  }
0xa6: {  	[sflag:s22] =	ssyncadd.s32 s5;
	_ =	sdelay $0x1  }
0xa7: {  	s23 =	simm.s32 $0x1B8B  }
0xa8: {  	_ =	swait.ge [sflag:s23], $0x1  }
0xa9: {  	[sflag:s23] =	ssyncset.done $0x0  }
0xaa: {  	s25 =	simm.s32 $0x1B8E;
	s24 =	sld [smem:$0x3FFE];
	[sflag:s23] =	ssyncadd.s32 $0xFFFFFFFF  }
0xab: {  	s26 =	simm.s32 $execute0_lowered;
	[smem:$0x3FD2] =	sst s25  }
0xac: {  	s6 =	sshll.u32 s26, $0x1;
	_ =	strace $0x80000049;
	[dreg:$0x1] =	wrdreg $0xFFFFFFFF  }
0xad: {  	s28 =	simm.s32 $_size_execute0_lowered;
	s4 =	sadd.s32 s4, s6;
	[dreg:$0x0] =	wrdreg $0x0  }
0xae: {  	s6 =	sshll.u32 s28, $0x1;
	[dreg:$0x2] =	wrdreg s4  }
0xaf: {  	[dreg:$0x3] =	wrdreg s6  }
0xb0: {  	[dreg:$0x4] =	wrdreg $0xC0  }
0xb1: {  	_ =	task [dreg:s8], $0x5FFFF  }
0xb2: {  	[dreg:$0x1] =	wrdreg $0xFFFFFFFF  }
0xb3: {  	[dreg:$0x0] =	wrdreg $0x60  }
0xb4: {  	[dreg:$0x2] =	wrdreg s24  }
0xb5: {  	[dreg:$0x3] =	wrdreg s16  }
0xb6: {  	[dreg:$0x4] =	wrdreg s17  }
0xb7: {  	[dreg:$0x5] =	wrdreg $0x52000  }
0xb8: {  	[dreg:$0x6] =	wrdreg $0x9  }
0xb9: {  	_ =	task.clear_ibuf [dreg:s8], $0x7FFFF;
	_ =	strace $0x90000049  }
0xba: {  	s29 =	simm.s32 $0x9;
	_ =	strace $0x8000004B  }
0xbb: {  	_ =	swait.ge [sflag:s29], $0x1  }
0xbc: {  	[sflag:s29] =	ssyncadd.s32 $0xFFFFFFFF  }
0xbd: {  	_ =	strace $0x9000004B  }
0xbe: {  	_ =	sfence  }
0xbf: {  	s30 =	sld [smem:$0x0];
	_ =	sdelay $0x2  }
0xc0: {  	s31 =	sshll.u32 s1, $0xD;
	s1 =	sshrl.u32 s1, $0x2  }
0xc1: {  	s3 =	sand.u32 $0x4000, s31;
	s1 =	sadd.s32 s1, s30  }
0xc2: {  	s0 =	sor.u32 s3, s0;
	s1 =	sshll.u32 s1, $0x11  }
0xc3: {  	s0 =	sor.u32 s1, s0  }
0xc4: {  	s0 =	sadd.s32 $0x8F2B, s0  }
0xc5: {  	[sflag:s0] =	ssyncadd.remote.s32 $0x1  }
0xc6: {  	_ =	sfence.sel $0xFFFF  }
0xc7: {  	[dreg:$0x0] =	wrdreg $0xFFFFFFFF;
	(pc) =	sbr.abs _section_cstart, $3  }
0xc8: {  	[dreg:$0x1] =	wrdreg $0xFFFFFFFF  }
0xc9: {  	_ =	task.clear_ibuf [dreg:s8], $0x2FFFF;
	_ =	strace $0x9FFFFFFF  }
0xca: {  	(tm) =	ssettm $0x7FFFFFFF  }
0xcb: {  	_ =	shalt  }
tec
execute0_lowered:
.L_overlay_start_1:
0x0: {  	(tag) =	ssettag $0x1  }
0x1: {  	s0 =	rddreg [dreg:$0x0]  }
0x2: {  	s1 =	rddreg [dreg:$0x1]  }
0x3: {  	s2 =	rddreg [dreg:$0x2]  }
0x4: {  	s3 =	rddreg [dreg:$0x3];
	s4 =	simm.s32 $0x0;
	s16 =	stileid.u32  }
0x5: {  	s5 =	srdreg.scid;
	s18 =	simm.s32 $0x50;
	s19 =	simm.s32 $0x200  }
0x6: {  	s21 =	simm.s32 $0x180;
	s22 =	simm.s32 $0x2;
	s23 =	simm.s32 $0x1  }
0x7: {  	s25 =	simm.s32 $0x100;
	s26 =	simm.s32 $0x0;
	[smem:$0x7FF] =	sst s4  }
0x8: {  	s13 =	smul.u32 $0x2800, s16;
	s9 =	sand.u32 $0x1, s5;
	s5 =	sadd.s32 $0x5C00, s0  }
0x9: {  	s7 =	sshll.u32 s16, $0xE;
	s11 =	smul.u32 $0x50000, s16;
	s31 =	sshll.u32 s16, $0x6  }
0xa: {  	_ =	strace $0x8000004A;
	s6 =	sshll.u32 s9, $0x12;
	s8 =	ssub.s32 $0x2, s9  }
0xb: {  	s15 =	smul.u32 $0x28000, s9;
	s16 =	sor.u32 $0x1C03, s31;
	s0 =	sadd.s32 s13, s0  }
0xc: {  	s6 =	sor.u32 s7, s6;
	s28 =	sshrl.u32 s8, $0x1;
	s11 =	sshrl.u32 s11, $0x2  }
0xd: {  	s10 =	sshrl.u32 s6, $0x3;
	s14 =	ssub.s32 s8, s28;
	s8 =	sor.u32 $0x80000, s6  }
0xe: {  	s17 =	sadd.s32 s11, s3;
	s30 =	sadd.s32 s13, s15;
	s15 =	simm.s32 $0x3  }
0xf: {  	s7 =	sadd.s32 s5, s10;
	s29 =	sshrl.u32 s8, $0x3;
	s10 =	sadd.s32 $0x25C00, s0  }
0x10: {  	s13 =	sadd.s32 s2, s30;
	s14 =	smax.u32 s14, $0x1;
	s17 =	sshrl.u32 s17, $0x3  }
0x11: {  	s9 =	sadd.s32 s5, s29;
	s11 =	sadd.s32 $0x10, s7;
	s12 =	sadd.s32 $0x10010, s7  }
.LBB2_1:
0x12: {  	[tilespmem:s4], [sflag:$0x3] =	stream.linear.gather [hbm4b:s7+s4], $0x80, $0x38;
	[tilespmem:$0x19200] =	vst v63  }
0x13: {  	_ =	swait.ge [sflag:s15], $0x80  }
0x14: {  	[sflag:s15] =	ssyncset.done $0x0  }
0x15: {  	[sflag:s15] =	ssyncadd.s32 $0xFFFFFF80  }
0x16: {  	[tilespmem:s25], [sflag:$0x3] =	stream.linear.gather [hbm4b:s9+s4], $0x80, $0x38;
	[tilespmem:$0x19200] =	vst v63  }
0x17: {  	_ =	swait.ge [sflag:s15], $0x80  }
0x18: {  	[sflag:s15] =	ssyncset.done $0x0  }
0x19: {  	[sflag:s15] =	ssyncadd.s32 $0xFFFFFF80  }
0x1a: {  	[spmem:s17], [sflag:s16] =	dma.local [hbm:s10], $0x2800  }
0x1b: {  	_ =	swait.ge [sflag:s15], $0x2800  }
0x1c: {  	[sflag:s15] =	ssyncset.done $0x0  }
0x1d: {  	[sflag:s15] =	ssyncadd.s32 $0xFFFFD800  }
0x1e: {  	[bflag:$0x0] =	sbarrier.arrive $0xFFFF  }
0x1f: {  	[tilespmem:s19], [sflag:$0x1] =	stream.indirect.gather [hbm4b:s1+s18], $0x80, s4, s18, $0xb8;
	[tilespmem:$0x19200] =	vst v63  }
0x20: {  	s0 =	simm.s32 $0x80  }
0x21: {  	[tilespmem:s0], [sflag:$0x2] =	stream.linear.gather [hbm4b:s11+s4], $0x80, $0x38;
	[tilespmem:$0x19200] =	vst v63  }
0x22: {  	_ = 	snop  }
0x23: {  	[tilespmem:s21], [sflag:$0x2] =	stream.linear.gather [hbm4b:s12+s4], $0x80, $0x38;
	[tilespmem:$0x19200] =	vst v63  }
0x24: {  	_ =	swait.ge [sflag:s22], $0x80  }
0x25: {  	s31 =	sand.u32 $0x1, s23;
	s28 =	simm.s32 $0x0;
	[sflag:s22] =	ssyncset.done $0x0  }
0x26: {  	s2 =	smul.u32 $0xA000, s31;
	s28 =	sand.u32 $0x1, s28;
	[sflag:s22] =	ssyncadd.s32 $0xFFFFFF80  }
0x27: {  	s20 =	smul.u32 $0xA000, s28;
	_ =	swait.ge [sflag:s22], $0x80  }
0x28: {  	s24 =	sshll.u32 s28, $0x7;
	s2 =	sshrl.u32 s2, $0x2;
	[sflag:s22] =	ssyncset.done $0x0  }
0x29: {  	s2 =	sor.u32 $0x200, s2;
	s0 =	sshll.u32 s31, $0x7;
	[sflag:s22] =	ssyncadd.s32 $0xFFFFFF80  }
0x2a: {  	[tilespmem:s2], [sflag:$0x1] =	stream.indirect.gather [hbm4b:s1+s18], $0x80, s0, s18, $0xb8;
	[tilespmem:$0x19200] =	vst v63  }
0x2b: {  	s28 =	sand.u32 $0x7C00, s25;
	s30 =	sor.u32 $0x100, s24;
	_ =	swait.ge [sflag:s23], $0x2800  }
0x2c: {  	s29 =	sadd.s32 s6, s28;
	s0 =	sshrl.u32 s20, $0x2;
	[sflag:s23] =	ssyncset.done $0x0  }
0x2d: {  	s31 =	sand.u32 $0x380, s25;
	s0 =	sor.u32 $0x200, s0;
	[sflag:s23] =	ssyncadd.s32 $0xFFFFD800  }
0x2e: {  	[spmem:s3] =	stream.indirect.scatter.add.f32 [tilespmem:s0], [sflag:$0x3], $0x80, s30, s18, $0xb8;
	[tilespmem:$0x19200] =	vst v63  }
0x2f: {  	s28 =	sadd.s32 s8, s28;
	s29 =	sor.u32 s31, s29;
	_ =	swait.ge [sflag:s15], $0x2800  }
0x30: {  	s29 =	sshrl.u32 s29, $0x3;
	s0 =	sor.u32 s31, s28;
	[sflag:s15] =	ssyncset.done $0x0  }
0x31: {  	s28 =	sadd.s32 s5, s29;
	s0 =	sshrl.u32 s0, $0x3;
	[sflag:s15] =	ssyncadd.s32 $0xFFFFD800  }
0x32: {  	[tilespmem:s24], [sflag:$0x2] =	stream.linear.gather [hbm4b:s28+s4], $0x80, $0x38;
	[tilespmem:$0x19200] =	vst v63  }
0x33: {  	s29 =	simm.s32 $0x1;
	s2 =	sadd.s32 s5, s0;
	s28 =	simm.s32 $0x180  }
.LBB2_2:
0x34: {  	p0 =	sne.s32 s28, $0x3E00  }
0x35: {  	s29 =	sadd.s32 $0x1, s29;
	s0 =	smov.u32 s28;
	s28 =	sadd.s32 $0x80, s28  }
0x36: {  	[tilespmem:s30], [sflag:$0x2] =	stream.linear.gather [hbm4b:s2+s4], $0x80, $0x38;
	[tilespmem:$0x19200] =	vst v63  }
0x37: {  	_ =	swait.ge [sflag:s22], $0x80  }
0x38: {  	s2 =	sand.u32 $0x1, s29;
	[sflag:s22] =	ssyncset.done $0x0  }
0x39: {  	s30 =	smul.u32 $0xA000, s2;
	[sflag:s22] =	ssyncadd.s32 $0xFFFFFF80  }
0x3a: {  	s2 =	sshll.u32 s2, $0x7;
	_ =	swait.ge [sflag:s22], $0x80  }
0x3b: {  	s31 =	sadd.s32 $0xFFFFFFFF, s29;
	s30 =	sshrl.u32 s30, $0x2;
	[sflag:s22] =	ssyncset.done $0x0  }
0x3c: {  	s31 =	sand.u32 $0x1, s31;
	s30 =	sor.u32 $0x200, s30;
	[sflag:s22] =	ssyncadd.s32 $0xFFFFFF80  }
0x3d: {  	[tilespmem:s30], [sflag:$0x1] =	stream.indirect.gather [hbm4b:s1+s18], $0x80, s2, s18, $0xb8;
	[tilespmem:$0x19200] =	vst v63  }
0x3e: {  	s20 =	sand.u32 $0x380, s0;
	s2 =	smul.u32 $0xA000, s31;
	_ =	swait.ge [sflag:s23], $0x2800  }
0x3f: {  	s24 =	sand.u32 $0x7C00, s0;
	s31 =	sshll.u32 s31, $0x7;
	[sflag:s23] =	ssyncset.done $0x0  }
0x40: {  	s30 =	sor.u32 $0x100, s31;
	s0 =	sshrl.u32 s2, $0x2;
	[sflag:s23] =	ssyncadd.s32 $0xFFFFD800  }
0x41: {  	s2 =	sadd.s32 s6, s24;
	s24 =	sadd.s32 s8, s24;
	s0 =	sor.u32 $0x200, s0  }
0x42: {  	[spmem:s3] =	stream.indirect.scatter.add.f32 [tilespmem:s0], [sflag:$0x3], $0x80, s30, s18, $0xb8;
	[tilespmem:$0x19200] =	vst v63  }
.Ltmp0:
0x43: {  	_ = 	snop;
	(pc) =	sbr.rel @p0 .LBB2_2-.Ltmp0, $4  }
0x44: {  	s2 =	sor.u32 s20, s2;
	s20 =	sor.u32 s20, s24;
	_ =	swait.ge [sflag:s15], $0x2800  }
0x45: {  	s2 =	sshrl.u32 s2, $0x3;
	s20 =	sshrl.u32 s20, $0x3;
	[sflag:s15] =	ssyncset.done $0x0  }
0x46: {  	s24 =	sadd.s32 s5, s2;
	s2 =	sadd.s32 s5, s20;
	[sflag:s15] =	ssyncadd.s32 $0xFFFFD800  }
0x47: {  	[tilespmem:s31], [sflag:$0x2] =	stream.linear.gather [hbm4b:s24+s4], $0x80, $0x38;
	[tilespmem:$0x19200] =	vst v63  }
0x48: {  	[tilespmem:s30], [sflag:$0x2] =	stream.linear.gather [hbm4b:s2+s4], $0x80, $0x38;
	[tilespmem:$0x19200] =	vst v63  }
0x49: {  	_ =	swait.ge [sflag:s22], $0x80  }
0x4a: {  	[sflag:s22] =	ssyncset.done $0x0  }
0x4b: {  	[sflag:s22] =	ssyncadd.s32 $0xFFFFFF80  }
0x4c: {  	_ =	swait.ge [sflag:s22], $0x80  }
0x4d: {  	[sflag:s22] =	ssyncset.done $0x0  }
0x4e: {  	[sflag:s22] =	ssyncadd.s32 $0xFFFFFF80  }
0x4f: {  	[tilespmem:s0], [sflag:$0x1] =	stream.indirect.gather [hbm4b:s1+s18], $0x80, s31, s18, $0xb8;
	[tilespmem:$0x19200] =	vst v63  }
0x50: {  	_ =	swait.ge [sflag:s23], $0x2800  }
0x51: {  	[sflag:s23] =	ssyncset.done $0x0  }
0x52: {  	s31 =	simm.s32 $0x2A00;
	[sflag:s23] =	ssyncadd.s32 $0xFFFFD800  }
0x53: {  	[spmem:s3] =	stream.indirect.scatter.add.f32 [tilespmem:s31], [sflag:$0x3], $0x80, s21, s18, $0xb8;
	[tilespmem:$0x19200] =	vst v63  }
0x54: {  	_ =	swait.ge [sflag:s15], $0x2800  }
0x55: {  	[sflag:s15] =	ssyncset.done $0x0  }
0x56: {  	[sflag:s15] =	ssyncadd.s32 $0xFFFFD800  }
0x57: {  	_ =	swait.ge [sflag:s23], $0x2800  }
0x58: {  	[sflag:s23] =	ssyncset.done $0x0  }
0x59: {  	[sflag:s23] =	ssyncadd.s32 $0xFFFFD800  }
0x5a: {  	[spmem:s3] =	stream.indirect.scatter.add.f32 [tilespmem:s19], [sflag:$0x3], $0x80, s25, s18, $0xb8;
	[tilespmem:$0x19200] =	vst v63  }
0x5b: {  	_ =	swait.ge [sflag:s15], $0x2800  }
0x5c: {  	s26 =	sadd.s32 $0x1, s26;
	[sflag:s15] =	ssyncset.done $0x0  }
0x5d: {  	p0 =	sne.s32 s26, s14;
	[sflag:s15] =	ssyncadd.s32 $0xFFFFD800  }
.Ltmp1:
0x5e: {  	[bflag:$0x0] =	sbarrier.arrive $0xFFFF;
	(pc) =	sbr.rel @p0 .LBB2_1-.Ltmp1, $4  }
0x5f: {  	[hbm:s13], [sflag:s16] =	dma.local [spmem:s17], $0x2800  }
0x60: {  	_ =	swait.ge [sflag:s15], $0x2800  }
0x61: {  	[sflag:s15] =	ssyncset.done $0x0  }
0x62: {  	[sflag:s15] =	ssyncadd.s32 $0xFFFFD800  }
0x63: {  	_ =	sfence.sel $0x180000  }
0x64: {  	[bflag:$0x0] =	sbarrier.arrive $0xFFFF  }
0x65: {  	_ =	strace $0x9000004A  }
0x66: {  	s0 =	stileid.u32;
	[bflag:$0x2] =	sbarrier.arrive $0xFFFF  }
0x67: {  	p0 =	sne.s32 s0, $0x0;
	s0 =	rddreg [dreg:$0x4]  }
0x68: {  	s0 =	sadd.s32 @!p0 $0x100000, s0  }
0x69: {  	[sflag:s0] =	ssyncadd.tile.s32 @!p0 $0x1;
	_ =	shalt  }
.Lfunc_end2:
_tile_overlayer_lowered:
.L_overlay_start_2:
0x6a: {  	(tag) =	ssettag $0x2  }
0x6b: {  	s0 =	rddreg [dreg:$0x0];
	s2 =	stileid.u32  }
0x6c: {  	s1 =	rddreg [dreg:$0x1];
	p0 =	sne.s32 s2, $0x0  }
0x6d: {  	s3 =	rddreg [dreg:$0x2];
	[bflag:$0x3] =	sbarrier.arrive $0xFFFF;
	s2 =	simm.s32 @!p0 $0x1C03  }
0x6e: {  	[timem:s3], [sflag:s2] =	dma.local @!p0 [hbm:s0], s1  }
0x6f: {  	s0 =	simm.s32 @!p0 $0x3  }
0x70: {  	_ =	swait.ge @!p0 [sflag:s0], s1  }
0x71: {  	s1 =	ssub.s32 @!p0 $0x0, s1;
	[sflag:s0] =	ssyncset.done @!p0 $0x0  }
0x72: {  	[sflag:s0] =	ssyncadd.s32 @!p0 s1  }
0x73: {  	[bflag:$0x3] =	sbarrier.arrive $0xFFFF  }
0x74: {  	_ =	shalt  }

// kernel: kernel.16.cloned.1.call-start
scs
__scs_entry_jumppad:
0x0: {  	(pc) =	sbr.rel $0x88, $3  }
0x1: {  	(tag) =	ssettag $0x0;
	lr =	simm.s32 $0x1  }
0x2: {  	[smem:$0x3F8A] =	sst lr;
	_ =	strace $0xD0000000  }
0x3: {  	_ = 	snop  }
0x4: {  	_ = 	snop  }
0x5: {  	_ = 	snop  }
0x6: {  	_ = 	snop  }
0x7: {  	_ = 	snop  }
__scs_overlays_trampoline_lowered:
0x8: {  	[smem:$0x3F99] =	sst s0  }
0x9: {  	[smem:$0x3F9A] =	sst s1  }
0xa: {  	[smem:$0x3F9B] =	sst s2  }
0xb: {  	[smem:$0x3F9C] =	sst s3  }
0xc: {  	[smem:$0x3F9D] =	sst s4  }
0xd: {  	[smem:$0x3F9E] =	sst s5  }
0xe: {  	[smem:$0x3F9F] =	sst s6  }
0xf: {  	[smem:$0x3FA0] =	sst s7  }
0x10: {  	[smem:$0x3FA1] =	sst s8  }
0x11: {  	[smem:$0x3FA2] =	sst s9;
	s0 =	simm.s32 @!p0 $0x0  }
0x12: {  	s1 =	sld [smem:$0x3F88];
	s0 =	simm.s32 @p0 $0x1  }
0x13: {  	[smem:$0x3FA3] =	sst s0;
	s0 =	simm.s32 @!p1 $0x0  }
0x14: {  	s2 =	sld [smem:$0x3F87];
	s0 =	simm.s32 @p1 $0x1  }
0x15: {  	[smem:$0x3FA4] =	sst s0;
	s0 =	simm.s32 @!p2 $0x0  }
0x16: {  	s3 =	sld [smem:$0x3FDB];
	s0 =	simm.s32 @p2 $0x1  }
0x17: {  	s4 =	simm.s32 $0x1BF5;
	[smem:$0x3FA6] =	sst s0  }
0x18: {  	s0 =	sld [smem:$0x3F89];
	_ =	swait.ge [sflag:s4], $0x0  }
0x19: {  	s7 =	sld [smem:$0x3F8A]  }
0x1a: {  	s8 =	sadd.s32 $0xFFFFE003, lr  }
0x1b: {  	s9 =	sadd.s32 $0xFFFFFEF7, lr;
	s5 =	simm.s32 $0xFFFFFFFF;
	p2 =	slt.u32 s8, $0xFFFFF086  }
0x1c: {  	p1 =	slt.u32 s9, $0xF7A;
	s5 =	simm.s32 @!p2 $0x0  }
0x1d: {  	s5 =	simm.s32 @p1 $0x1;
	p0 =	seq.s32 s7, s2  }
0x1e: {  	s7 =	smul.u32 @!p0 $0xF7A, s2;
	p2 =	seq.s32 @!p0 s5, $0x0  }
0x1f: {  	s9 =	smul.u32 $0xF7A, s1;
	s8 =	simm.s32 @!p0 $0x1BF5;
	p2 =	por !p2, p0  }
0x20: {  	[sflag:s8] =	ssyncset.s32 @!p0 $0xFFFFF086;
	s6 =	sadd.s32 @!p0 s3, s7;
	s7 =	simm.s32 @!p0 $0x108  }
0x21: {  	s3 =	sadd.s32 s3, s9;
	s6 =	sadd.s32 @!p0 $0x88, s6;
	s7 =	simm.s32 @p2 $0x1082  }
0x22: {  	[simem:s7], [sflag:s8] =	dma.local @!p0 [hbm:s6], $0xF7A  }
0x23: {  	s9 =	sor.u32 $0xD0000000, s2;
	s6 =	simm.s32 $0x108;
	_ =	swait.ge @!p0 [sflag:s8], $0x0  }
0x24: {  	s3 =	sadd.s32 $0x88, s3;
	s6 =	simm.s32 @!p1 $0x1082;
	[sflag:s4] =	ssyncset.s32 $0xFFFFF086  }
0x25: {  	[simem:s6], [sflag:s4] =	dma.local [hbm:s3], $0xF7A  }
0x26: {  	[smem:$0x3F8A] =	sst s1;
	(tag) =	ssettag s2;
	_ =	strace s9  }
0x27: {  	s1 =	sld [smem:$0x3F9A]  }
0x28: {  	s2 =	sld [smem:$0x3F9B]  }
0x29: {  	s4 =	sld [smem:$0x3F9D]  }
0x2a: {  	p0 =	seq.s32 s5, $0x0;
	s5 =	sld [smem:$0x3F9E]  }
0x2b: {  	s6 =	sld [smem:$0x3F9F]  }
0x2c: {  	s7 =	sld [smem:$0x3FA0]  }
0x2d: {  	s3 =	simm.s32 $0x108;
	s8 =	sld [smem:$0x3FA1]  }
0x2e: {  	s3 =	simm.s32 @!p0 $0x1082;
	s9 =	sld [smem:$0x3FA2]  }
0x2f: {  	lr =	sadd.s32 s0, s3;
	s0 =	sld [smem:$0x3F99]  }
0x30: {  	s3 =	sld [smem:$0x3F9C]  }
0x31: {  	[smem:$0x3FA5] =	sst s10  }
0x32: {  	s10 =	sld [smem:$0x3FA3];
	_ =	sdelay $0x3  }
0x33: {  	p0 =	seq.s32 s10, $0x1;
	s10 =	sld [smem:$0x3FA5];
	_ =	sdelay $0x3  }
0x34: {  	[smem:$0x3FA5] =	sst s10  }
0x35: {  	s10 =	sld [smem:$0x3FA4];
	_ =	sdelay $0x3  }
0x36: {  	p1 =	seq.s32 s10, $0x1;
	s10 =	sld [smem:$0x3FA5];
	_ =	sdelay $0x3  }
0x37: {  	[smem:$0x3FA5] =	sst s10  }
0x38: {  	s10 =	sld [smem:$0x3FA6]  }
0x39: {  	_ = 	snop;
	(pc) =	sbr.ind lr, $3  }
0x3a: {  	_ = 	snop  }
0x3b: {  	_ = 	snop  }
0x3c: {  	p2 =	seq.s32 s10, $0x1;
	s10 =	sld [smem:$0x3FA5]  }
0x3d: {  	_ =	shalt  }
0x3e: {  	_ =	shalt  }
0x3f: {  	_ =	shalt  }
0x40: {  	_ =	shalt  }
0x41: {  	_ =	shalt  }
0x42: {  	_ =	shalt  }
0x43: {  	_ =	shalt  }
0x44: {  	_ =	shalt  }
0x45: {  	_ =	shalt  }
0x46: {  	_ =	shalt  }
0x47: {  	_ =	shalt  }
0x48: {  	_ =	shalt  }
0x49: {  	_ =	shalt  }
0x4a: {  	_ =	shalt  }
0x4b: {  	_ =	shalt  }
0x4c: {  	_ =	shalt  }
0x4d: {  	_ =	shalt  }
0x4e: {  	_ =	shalt  }
0x4f: {  	_ =	shalt  }
0x50: {  	_ =	shalt  }
0x51: {  	_ =	shalt  }
0x52: {  	_ =	shalt  }
0x53: {  	_ =	shalt  }
0x54: {  	_ =	shalt  }
0x55: {  	_ =	shalt  }
0x56: {  	_ =	shalt  }
0x57: {  	_ =	shalt  }
0x58: {  	_ =	shalt  }
0x59: {  	_ =	shalt  }
0x5a: {  	_ =	shalt  }
0x5b: {  	_ =	shalt  }
0x5c: {  	_ =	shalt  }
0x5d: {  	_ =	shalt  }
0x5e: {  	_ =	shalt  }
0x5f: {  	_ =	shalt  }
0x60: {  	_ =	shalt  }
0x61: {  	_ =	shalt  }
0x62: {  	_ =	shalt  }
0x63: {  	_ =	shalt  }
0x64: {  	_ =	shalt  }
0x65: {  	_ =	shalt  }
0x66: {  	_ =	shalt  }
0x67: {  	_ =	shalt  }
0x68: {  	_ =	shalt  }
0x69: {  	_ =	shalt  }
0x6a: {  	_ =	shalt  }
0x6b: {  	_ =	shalt  }
0x6c: {  	_ =	shalt  }
0x6d: {  	_ =	shalt  }
0x6e: {  	_ =	shalt  }
0x6f: {  	_ =	shalt  }
0x70: {  	_ =	shalt  }
0x71: {  	_ =	shalt  }
0x72: {  	_ =	shalt  }
0x73: {  	_ =	shalt  }
0x74: {  	_ =	shalt  }
0x75: {  	_ =	shalt  }
0x76: {  	_ =	shalt  }
0x77: {  	_ =	shalt  }
0x78: {  	_ =	shalt  }
0x79: {  	_ =	shalt  }
0x7a: {  	_ =	shalt  }
0x7b: {  	_ =	shalt  }
0x7c: {  	_ =	shalt  }
0x7d: {  	_ =	shalt  }
0x7e: {  	_ =	shalt  }
0x7f: {  	_ =	shalt  }
0x80: {  	_ =	shalt  }
0x81: {  	_ =	shalt  }
0x82: {  	_ =	shalt  }
0x83: {  	_ =	shalt  }
0x84: {  	_ =	shalt  }
0x85: {  	_ =	shalt  }
0x86: {  	_ =	shalt  }
0x87: {  	_ =	shalt  }
.Lfunc_end0:
.L_simem_size_0:
called_computation.2_lowered:
.L_overlay_start_0:
0x88: {  	s2 =	sld [smem:$0x3FD9]  }
0x89: {  	s3 =	sld [smem:$0x3FFE];
	_ =	sdelay $0x1  }
0x8a: {  	s1 =	srdreg.scid  }
0x8b: {  	s0 =	sand.u32 $0x1, s1  }
0x8c: {  	s14 =	sshll.u32 s0, $0xA;
	s2 =	sadd.s32 s3, s2  }
0x8d: {  	s2 =	sadd.s32 s2, s14  }
0x8e: {  	[smem:$0x3FB1] =	sst s2  }
0x8f: {  	_ = 	snop  }
0x90: {  	s2 =	sld [smem:$0x3FD0];
	_ =	sdelay $0x2  }
0x91: {  	s15 =	simm.s32 $0xA;
	s4 =	simm.s32 $0x10  }
0x92: {  	[smem:s4], [sflag:s15] =	dma.local [hbm:s2], $0x1  }
0x93: {  	_ =	swait.eq [sflag:s15], $0x1  }
0x94: {  	[sflag:s15] =	ssyncset.done $0x0  }
0x95: {  	s16 =	sld [smem:$0x11];
	[sflag:s15] =	ssyncadd.s32 $0xFFFFFFFF  }
0x96: {  	s17 =	sld [smem:$0x12];
	(tm) =	ssettm $0x1  }
0x97: {  	s18 =	sld [smem:$0x3FFB];
	_ =	sdelay $0x3  }
0x98: {  	_ =	strace s18  }
0x99: {  	s4 =	sld [smem:$0x3FFC];
	_ =	sdelay $0x3  }
0x9a: {  	_ =	strace s4  }
0x9b: {  	s4 =	sld [smem:$0x3FFD];
	_ =	sdelay $0x3  }
0x9c: {  	_ =	strace s4  }
0x9d: {  	_ =	strace $0x8FFFFFFF  }
0x9e: {  	s19 =	sld [smem:$0x3FDB];
	_ =	sdelay $0x1  }
0x9f: {  	s5 =	simm.s32 $_scs_section_size  }
0xa0: {  	s6 =	simm.s32 $_size__tile_overlayer_lowered;
	s7 =	simm.s32 $_tile_overlayer_lowered  }
0xa1: {  	s22 =	simm.s32 $0x1BFF;
	s21 =	sshll.u32 s7, $0x1;
	s4 =	sadd.s32 s5, s19  }
0xa2: {  	s8 =	simm.s32 $0x0;
	s20 =	sshll.u32 s6, $0x1;
	s6 =	sadd.s32 s21, s4  }
0xa3: {  	[timem:s8], [sflag:s22] =	dma.local [hbm:s6], s20  }
0xa4: {  	_ =	swait.ge [sflag:s22], s20  }
0xa5: {  	s5 =	ssub.s32 $0x0, s20;
	[sflag:s22] =	ssyncset.done $0x0  }
0xa6: {  	[sflag:s22] =	ssyncadd.s32 s5;
	_ =	sdelay $0x1  }
0xa7: {  	s23 =	simm.s32 $0x1B8B  }
0xa8: {  	_ =	swait.ge [sflag:s23], $0x1  }
0xa9: {  	[sflag:s23] =	ssyncset.done $0x0  }
0xaa: {  	s25 =	simm.s32 $0x1B8E;
	s24 =	sld [smem:$0x3FFE];
	[sflag:s23] =	ssyncadd.s32 $0xFFFFFFFF  }
0xab: {  	s26 =	simm.s32 $execute0_lowered;
	[smem:$0x3FD2] =	sst s25  }
0xac: {  	s6 =	sshll.u32 s26, $0x1;
	_ =	strace $0x8000004C;
	[dreg:$0x1] =	wrdreg $0xFFFFFFFF  }
0xad: {  	s28 =	simm.s32 $_size_execute0_lowered;
	s4 =	sadd.s32 s4, s6;
	[dreg:$0x0] =	wrdreg $0x0  }
0xae: {  	s6 =	sshll.u32 s28, $0x1;
	[dreg:$0x2] =	wrdreg s4  }
0xaf: {  	[dreg:$0x3] =	wrdreg s6  }
0xb0: {  	[dreg:$0x4] =	wrdreg $0xC0  }
0xb1: {  	_ =	task [dreg:s8], $0x5FFFF  }
0xb2: {  	[dreg:$0x1] =	wrdreg $0xFFFFFFFF  }
0xb3: {  	[dreg:$0x0] =	wrdreg $0x60  }
0xb4: {  	[dreg:$0x2] =	wrdreg s24  }
0xb5: {  	[dreg:$0x3] =	wrdreg s16  }
0xb6: {  	[dreg:$0x4] =	wrdreg s17  }
0xb7: {  	[dreg:$0x5] =	wrdreg $0x52000  }
0xb8: {  	[dreg:$0x6] =	wrdreg $0x9  }
0xb9: {  	_ =	task.clear_ibuf [dreg:s8], $0x7FFFF;
	_ =	strace $0x9000004C  }
0xba: {  	s29 =	simm.s32 $0x9;
	_ =	strace $0x8000004E  }
0xbb: {  	_ =	swait.ge [sflag:s29], $0x1  }
0xbc: {  	[sflag:s29] =	ssyncadd.s32 $0xFFFFFFFF  }
0xbd: {  	_ =	strace $0x9000004E  }
0xbe: {  	_ =	sfence  }
0xbf: {  	s30 =	sld [smem:$0x0];
	_ =	sdelay $0x2  }
0xc0: {  	s31 =	sshll.u32 s1, $0xD;
	s1 =	sshrl.u32 s1, $0x2  }
0xc1: {  	s3 =	sand.u32 $0x4000, s31;
	s1 =	sadd.s32 s1, s30  }
0xc2: {  	s0 =	sor.u32 s3, s0;
	s1 =	sshll.u32 s1, $0x11  }
0xc3: {  	s0 =	sor.u32 s1, s0  }
0xc4: {  	s0 =	sadd.s32 $0x8F2B, s0  }
0xc5: {  	[sflag:s0] =	ssyncadd.remote.s32 $0x1  }
0xc6: {  	_ =	sfence.sel $0xFFFF  }
0xc7: {  	[dreg:$0x0] =	wrdreg $0xFFFFFFFF;
	(pc) =	sbr.abs _section_cstart, $3  }
0xc8: {  	[dreg:$0x1] =	wrdreg $0xFFFFFFFF  }
0xc9: {  	_ =	task.clear_ibuf [dreg:s8], $0x2FFFF;
	_ =	strace $0x9FFFFFFF  }
0xca: {  	(tm) =	ssettm $0x7FFFFFFF  }
0xcb: {  	_ =	shalt  }
tec
execute0_lowered:
.L_overlay_start_1:
0x0: {  	(tag) =	ssettag $0x1  }
0x1: {  	s0 =	rddreg [dreg:$0x0]  }
0x2: {  	s1 =	rddreg [dreg:$0x1]  }
0x3: {  	s2 =	rddreg [dreg:$0x2]  }
0x4: {  	s3 =	rddreg [dreg:$0x3];
	s4 =	simm.s32 $0x0;
	s16 =	stileid.u32  }
0x5: {  	s5 =	srdreg.scid;
	s18 =	simm.s32 $0x50;
	s19 =	simm.s32 $0x200  }
0x6: {  	s21 =	simm.s32 $0x180;
	s22 =	simm.s32 $0x2;
	s23 =	simm.s32 $0x1  }
0x7: {  	s25 =	simm.s32 $0x100;
	s26 =	simm.s32 $0x0;
	[smem:$0x7FF] =	sst s4  }
0x8: {  	s13 =	smul.u32 $0x2800, s16;
	s9 =	sand.u32 $0x1, s5;
	s5 =	sadd.s32 $0x5C00, s0  }
0x9: {  	s7 =	sshll.u32 s16, $0xE;
	s11 =	smul.u32 $0x50000, s16;
	s31 =	sshll.u32 s16, $0x6  }
0xa: {  	_ =	strace $0x8000004D;
	s6 =	sshll.u32 s9, $0x12;
	s8 =	ssub.s32 $0x2, s9  }
0xb: {  	s15 =	smul.u32 $0x28000, s9;
	s16 =	sor.u32 $0x1C03, s31;
	s0 =	sadd.s32 s13, s0  }
0xc: {  	s6 =	sor.u32 s7, s6;
	s28 =	sshrl.u32 s8, $0x1;
	s11 =	sshrl.u32 s11, $0x2  }
0xd: {  	s10 =	sshrl.u32 s6, $0x3;
	s14 =	ssub.s32 s8, s28;
	s8 =	sor.u32 $0x80000, s6  }
0xe: {  	s17 =	sadd.s32 s11, s3;
	s30 =	sadd.s32 s13, s15;
	s15 =	simm.s32 $0x3  }
0xf: {  	s7 =	sadd.s32 s5, s10;
	s29 =	sshrl.u32 s8, $0x3;
	s10 =	sadd.s32 $0x25C00, s0  }
0x10: {  	s13 =	sadd.s32 s2, s30;
	s14 =	smax.u32 s14, $0x1;
	s17 =	sshrl.u32 s17, $0x3  }
0x11: {  	s9 =	sadd.s32 s5, s29;
	s11 =	sadd.s32 $0x10, s7;
	s12 =	sadd.s32 $0x10010, s7  }
.LBB2_1:
0x12: {  	[tilespmem:s4], [sflag:$0x3] =	stream.linear.gather [hbm4b:s7+s4], $0x80, $0x38;
	[tilespmem:$0x19200] =	vst v63  }
0x13: {  	_ =	swait.ge [sflag:s15], $0x80  }
0x14: {  	[sflag:s15] =	ssyncset.done $0x0  }
0x15: {  	[sflag:s15] =	ssyncadd.s32 $0xFFFFFF80  }
0x16: {  	[tilespmem:s25], [sflag:$0x3] =	stream.linear.gather [hbm4b:s9+s4], $0x80, $0x38;
	[tilespmem:$0x19200] =	vst v63  }
0x17: {  	_ =	swait.ge [sflag:s15], $0x80  }
0x18: {  	[sflag:s15] =	ssyncset.done $0x0  }
0x19: {  	[sflag:s15] =	ssyncadd.s32 $0xFFFFFF80  }
0x1a: {  	[spmem:s17], [sflag:s16] =	dma.local [hbm:s10], $0x2800  }
0x1b: {  	_ =	swait.ge [sflag:s15], $0x2800  }
0x1c: {  	[sflag:s15] =	ssyncset.done $0x0  }
0x1d: {  	[sflag:s15] =	ssyncadd.s32 $0xFFFFD800  }
0x1e: {  	[bflag:$0x0] =	sbarrier.arrive $0xFFFF  }
0x1f: {  	[tilespmem:s19], [sflag:$0x1] =	stream.indirect.gather [hbm4b:s1+s18], $0x80, s4, s18, $0xb8;
	[tilespmem:$0x19200] =	vst v63  }
0x20: {  	s0 =	simm.s32 $0x80  }
0x21: {  	[tilespmem:s0], [sflag:$0x2] =	stream.linear.gather [hbm4b:s11+s4], $0x80, $0x38;
	[tilespmem:$0x19200] =	vst v63  }
0x22: {  	_ = 	snop  }
0x23: {  	[tilespmem:s21], [sflag:$0x2] =	stream.linear.gather [hbm4b:s12+s4], $0x80, $0x38;
	[tilespmem:$0x19200] =	vst v63  }
0x24: {  	_ =	swait.ge [sflag:s22], $0x80  }
0x25: {  	s31 =	sand.u32 $0x1, s23;
	s28 =	simm.s32 $0x0;
	[sflag:s22] =	ssyncset.done $0x0  }
0x26: {  	s2 =	smul.u32 $0xA000, s31;
	s28 =	sand.u32 $0x1, s28;
	[sflag:s22] =	ssyncadd.s32 $0xFFFFFF80  }
0x27: {  	s20 =	smul.u32 $0xA000, s28;
	_ =	swait.ge [sflag:s22], $0x80  }
0x28: {  	s24 =	sshll.u32 s28, $0x7;
	s2 =	sshrl.u32 s2, $0x2;
	[sflag:s22] =	ssyncset.done $0x0  }
0x29: {  	s2 =	sor.u32 $0x200, s2;
	s0 =	sshll.u32 s31, $0x7;
	[sflag:s22] =	ssyncadd.s32 $0xFFFFFF80  }
0x2a: {  	[tilespmem:s2], [sflag:$0x1] =	stream.indirect.gather [hbm4b:s1+s18], $0x80, s0, s18, $0xb8;
	[tilespmem:$0x19200] =	vst v63  }
0x2b: {  	s28 =	sand.u32 $0x7C00, s25;
	s30 =	sor.u32 $0x100, s24;
	_ =	swait.ge [sflag:s23], $0x2800  }
0x2c: {  	s29 =	sadd.s32 s6, s28;
	s0 =	sshrl.u32 s20, $0x2;
	[sflag:s23] =	ssyncset.done $0x0  }
0x2d: {  	s31 =	sand.u32 $0x380, s25;
	s0 =	sor.u32 $0x200, s0;
	[sflag:s23] =	ssyncadd.s32 $0xFFFFD800  }
0x2e: {  	[spmem:s3] =	stream.indirect.scatter.add.f32 [tilespmem:s0], [sflag:$0x3], $0x80, s30, s18, $0xb8;
	[tilespmem:$0x19200] =	vst v63  }
0x2f: {  	s28 =	sadd.s32 s8, s28;
	s29 =	sor.u32 s31, s29;
	_ =	swait.ge [sflag:s15], $0x2800  }
0x30: {  	s29 =	sshrl.u32 s29, $0x3;
	s0 =	sor.u32 s31, s28;
	[sflag:s15] =	ssyncset.done $0x0  }
0x31: {  	s28 =	sadd.s32 s5, s29;
	s0 =	sshrl.u32 s0, $0x3;
	[sflag:s15] =	ssyncadd.s32 $0xFFFFD800  }
0x32: {  	[tilespmem:s24], [sflag:$0x2] =	stream.linear.gather [hbm4b:s28+s4], $0x80, $0x38;
	[tilespmem:$0x19200] =	vst v63  }
0x33: {  	s29 =	simm.s32 $0x1;
	s2 =	sadd.s32 s5, s0;
	s28 =	simm.s32 $0x180  }
.LBB2_2:
0x34: {  	p0 =	sne.s32 s28, $0x3E00  }
0x35: {  	s29 =	sadd.s32 $0x1, s29;
	s0 =	smov.u32 s28;
	s28 =	sadd.s32 $0x80, s28  }
0x36: {  	[tilespmem:s30], [sflag:$0x2] =	stream.linear.gather [hbm4b:s2+s4], $0x80, $0x38;
	[tilespmem:$0x19200] =	vst v63  }
0x37: {  	_ =	swait.ge [sflag:s22], $0x80  }
0x38: {  	s2 =	sand.u32 $0x1, s29;
	[sflag:s22] =	ssyncset.done $0x0  }
0x39: {  	s30 =	smul.u32 $0xA000, s2;
	[sflag:s22] =	ssyncadd.s32 $0xFFFFFF80  }
0x3a: {  	s2 =	sshll.u32 s2, $0x7;
	_ =	swait.ge [sflag:s22], $0x80  }
0x3b: {  	s31 =	sadd.s32 $0xFFFFFFFF, s29;
	s30 =	sshrl.u32 s30, $0x2;
	[sflag:s22] =	ssyncset.done $0x0  }
0x3c: {  	s31 =	sand.u32 $0x1, s31;
	s30 =	sor.u32 $0x200, s30;
	[sflag:s22] =	ssyncadd.s32 $0xFFFFFF80  }
0x3d: {  	[tilespmem:s30], [sflag:$0x1] =	stream.indirect.gather [hbm4b:s1+s18], $0x80, s2, s18, $0xb8;
	[tilespmem:$0x19200] =	vst v63  }
0x3e: {  	s20 =	sand.u32 $0x380, s0;
	s2 =	smul.u32 $0xA000, s31;
	_ =	swait.ge [sflag:s23], $0x2800  }
0x3f: {  	s24 =	sand.u32 $0x7C00, s0;
	s31 =	sshll.u32 s31, $0x7;
	[sflag:s23] =	ssyncset.done $0x0  }
0x40: {  	s30 =	sor.u32 $0x100, s31;
	s0 =	sshrl.u32 s2, $0x2;
	[sflag:s23] =	ssyncadd.s32 $0xFFFFD800  }
0x41: {  	s2 =	sadd.s32 s6, s24;
	s24 =	sadd.s32 s8, s24;
	s0 =	sor.u32 $0x200, s0  }
0x42: {  	[spmem:s3] =	stream.indirect.scatter.add.f32 [tilespmem:s0], [sflag:$0x3], $0x80, s30, s18, $0xb8;
	[tilespmem:$0x19200] =	vst v63  }
.Ltmp0:
0x43: {  	_ = 	snop;
	(pc) =	sbr.rel @p0 .LBB2_2-.Ltmp0, $4  }
0x44: {  	s2 =	sor.u32 s20, s2;
	s20 =	sor.u32 s20, s24;
	_ =	swait.ge [sflag:s15], $0x2800  }
0x45: {  	s2 =	sshrl.u32 s2, $0x3;
	s20 =	sshrl.u32 s20, $0x3;
	[sflag:s15] =	ssyncset.done $0x0  }
0x46: {  	s24 =	sadd.s32 s5, s2;
	s2 =	sadd.s32 s5, s20;
	[sflag:s15] =	ssyncadd.s32 $0xFFFFD800  }
0x47: {  	[tilespmem:s31], [sflag:$0x2] =	stream.linear.gather [hbm4b:s24+s4], $0x80, $0x38;
	[tilespmem:$0x19200] =	vst v63  }
0x48: {  	[tilespmem:s30], [sflag:$0x2] =	stream.linear.gather [hbm4b:s2+s4], $0x80, $0x38;
	[tilespmem:$0x19200] =	vst v63  }
0x49: {  	_ =	swait.ge [sflag:s22], $0x80  }
0x4a: {  	[sflag:s22] =	ssyncset.done $0x0  }
0x4b: {  	[sflag:s22] =	ssyncadd.s32 $0xFFFFFF80  }
0x4c: {  	_ =	swait.ge [sflag:s22], $0x80  }
0x4d: {  	[sflag:s22] =	ssyncset.done $0x0  }
0x4e: {  	[sflag:s22] =	ssyncadd.s32 $0xFFFFFF80  }
0x4f: {  	[tilespmem:s0], [sflag:$0x1] =	stream.indirect.gather [hbm4b:s1+s18], $0x80, s31, s18, $0xb8;
	[tilespmem:$0x19200] =	vst v63  }
0x50: {  	_ =	swait.ge [sflag:s23], $0x2800  }
0x51: {  	[sflag:s23] =	ssyncset.done $0x0  }
0x52: {  	s31 =	simm.s32 $0x2A00;
	[sflag:s23] =	ssyncadd.s32 $0xFFFFD800  }
0x53: {  	[spmem:s3] =	stream.indirect.scatter.add.f32 [tilespmem:s31], [sflag:$0x3], $0x80, s21, s18, $0xb8;
	[tilespmem:$0x19200] =	vst v63  }
0x54: {  	_ =	swait.ge [sflag:s15], $0x2800  }
0x55: {  	[sflag:s15] =	ssyncset.done $0x0  }
0x56: {  	[sflag:s15] =	ssyncadd.s32 $0xFFFFD800  }
0x57: {  	_ =	swait.ge [sflag:s23], $0x2800  }
0x58: {  	[sflag:s23] =	ssyncset.done $0x0  }
0x59: {  	[sflag:s23] =	ssyncadd.s32 $0xFFFFD800  }
0x5a: {  	[spmem:s3] =	stream.indirect.scatter.add.f32 [tilespmem:s19], [sflag:$0x3], $0x80, s25, s18, $0xb8;
	[tilespmem:$0x19200] =	vst v63  }
0x5b: {  	_ =	swait.ge [sflag:s15], $0x2800  }
0x5c: {  	s26 =	sadd.s32 $0x1, s26;
	[sflag:s15] =	ssyncset.done $0x0  }
0x5d: {  	p0 =	sne.s32 s26, s14;
	[sflag:s15] =	ssyncadd.s32 $0xFFFFD800  }
.Ltmp1:
0x5e: {  	[bflag:$0x0] =	sbarrier.arrive $0xFFFF;
	(pc) =	sbr.rel @p0 .LBB2_1-.Ltmp1, $4  }
0x5f: {  	[hbm:s13], [sflag:s16] =	dma.local [spmem:s17], $0x2800  }
0x60: {  	_ =	swait.ge [sflag:s15], $0x2800  }
0x61: {  	[sflag:s15] =	ssyncset.done $0x0  }
0x62: {  	[sflag:s15] =	ssyncadd.s32 $0xFFFFD800  }
0x63: {  	_ =	sfence.sel $0x180000  }
0x64: {  	[bflag:$0x0] =	sbarrier.arrive $0xFFFF  }
0x65: {  	_ =	strace $0x9000004D  }
0x66: {  	s0 =	stileid.u32;
	[bflag:$0x2] =	sbarrier.arrive $0xFFFF  }
0x67: {  	p0 =	sne.s32 s0, $0x0;
	s0 =	rddreg [dreg:$0x4]  }
0x68: {  	s0 =	sadd.s32 @!p0 $0x100000, s0  }
0x69: {  	[sflag:s0] =	ssyncadd.tile.s32 @!p0 $0x1;
	_ =	shalt  }
.Lfunc_end2:
_tile_overlayer_lowered:
.L_overlay_start_2:
0x6a: {  	(tag) =	ssettag $0x2  }
0x6b: {  	s0 =	rddreg [dreg:$0x0];
	s2 =	stileid.u32  }
0x6c: {  	s1 =	rddreg [dreg:$0x1];
	p0 =	sne.s32 s2, $0x0  }
0x6d: {  	s3 =	rddreg [dreg:$0x2];
	[bflag:$0x3] =	sbarrier.arrive $0xFFFF;
	s2 =	simm.s32 @!p0 $0x1C03  }
0x6e: {  	[timem:s3], [sflag:s2] =	dma.local @!p0 [hbm:s0], s1  }
0x6f: {  	s0 =	simm.s32 @!p0 $0x3  }
0x70: {  	_ =	swait.ge @!p0 [sflag:s0], s1  }
0x71: {  	s1 =	ssub.s32 @!p0 $0x0, s1;
	[sflag:s0] =	ssyncset.done @!p0 $0x0  }
0x72: {  	[sflag:s0] =	ssyncadd.s32 @!p0 s1  }
0x73: {  	[bflag:$0x3] =	sbarrier.arrive $0xFFFF  }
0x74: {  	_ =	shalt  }

</sc_bundles>
